<compile_context>
chip_gen: v7x
topology: tpu7x:2x2x1
jax: 0.10.2.dev20260603
libtpu: 0.0.44.dev20260713+nightly
codegen_flags: <defaults>
</compile_context>

<pallas_src>
import functools

import jax
import jax.numpy as jnp
from jax import lax
from jax.experimental import pallas as pl
from jax.experimental.pallas import tpu as pltpu
from jax.experimental.pallas import tpu_sc as plsc


def _logits_kernel(x_ref, wr_ref, br_ref, lt_ref):
    lt = lax.dot_general(wr_ref[...], x_ref[...], (((0,), (1,)), ((), ())),
                         preferred_element_type=jnp.float32)
    lt_ref[...] = lt + br_ref[...]


def _sc_router_body(lt_hbm, ai_hbm, wv_hbm, sched_hbm, nact_hbm,
                    lt_v, act_v, ai_v, wv_v, sched_v, nact_v):
    E, T = lt_v.shape
    L = 16
    n_tok_chunks = T // L
    n_exp_chunks = E // L
    f32 = jnp.float32
    i32 = jnp.int32

    @pl.when((lax.axis_index("c") == 0) & (lax.axis_index("s") == 0))
    def _():
        pltpu.sync_copy(lt_hbm, lt_v)

        lane = lax.iota(i32, L)

        def step(e, carry):
            m1s, a1s, m2s, a2s = carry
            ev = jnp.full((L,), e, i32)
            new = ([], [], [], [])
            for c in range(n_tok_chunks):
                v = lt_v[e, pl.ds(c * L, L)]
                gt1 = v > m1s[c]
                gt2 = v > m2s[c]
                new[2].append(jnp.where(gt1, m1s[c],
                                        jnp.where(gt2, v, m2s[c])))
                new[3].append(jnp.where(gt1, a1s[c],
                                        jnp.where(gt2, ev, a2s[c])))
                new[0].append(jnp.where(gt1, v, m1s[c]))
                new[1].append(jnp.where(gt1, ev, a1s[c]))
            return tuple(tuple(t) for t in new)

        ninf = jnp.full((L,), -jnp.inf, f32)
        zero_i = jnp.zeros((L,), i32)
        m1s, a1s, m2s, a2s = lax.fori_loop(
            0, E, step,
            ((ninf,) * n_tok_chunks, (zero_i,) * n_tok_chunks,
             (ninf,) * n_tok_chunks, (zero_i,) * n_tok_chunks))

        ones = jnp.ones((L,), f32)
        for c in range(n_tok_chunks):
            sl = pl.ds(c * L, L)
            r = jnp.exp(m2s[c] - m1s[c])
            w1 = 1.0 / (1.0 + r)
            ai_v[0, sl] = a1s[c]
            ai_v[1, sl] = a2s[c]
            wv_v[0, sl] = w1
            wv_v[1, sl] = 1.0 - w1

        for c in range(n_exp_chunks):
            act_v[pl.ds(c * L, L)] = jnp.zeros((L,), f32)
        for c in range(n_tok_chunks):
            plsc.store_scatter(act_v, [a1s[c]], ones)
            plsc.store_scatter(act_v, [a2s[c]], ones)

        carry = f32(0.0)
        last_active = i32(0)
        actives, cums = [], []
        for c in range(n_exp_chunks):
            ch = act_v[pl.ds(c * L, L)]
            cs = plsc.cumsum(ch) + carry
            carry = carry + jnp.sum(ch)
            eid = lane + i32(c * L)
            last_active = jnp.maximum(
                last_active, jnp.max(jnp.where(ch > 0.5, eid, -1)))
            actives.append(ch)
            cums.append(cs)

        lastv = jnp.full((L,), 0, i32) + last_active
        for c in range(n_exp_chunks):
            sched_v[pl.ds(c * L, L)] = lastv
        for c in range(n_exp_chunks):
            rnk = (cums[c] - 1.0).astype(i32)
            eid = lane + i32(c * L)
            plsc.store_scatter(sched_v, [rnk], eid, mask=actives[c] > 0.5)

        nact_v[...] = jnp.full((L,), 0, i32) + carry.astype(i32)

        pltpu.sync_copy(ai_v, ai_hbm)
        pltpu.sync_copy(wv_v, wv_hbm)
        pltpu.sync_copy(sched_v, sched_hbm)
        pltpu.sync_copy(nact_v, nact_hbm)


def _expert_kernel(sched_ref, nact_ref, x_ref, w1_ref, b1_ref, w2_ref, b2_ref,
                   w3_ref, b3_ref, ai_ref, wv_ref, out_ref):
    g = pl.program_id(0)
    T = x_ref.shape[0]
    f32 = jnp.float32

    @pl.when(g == 0)
    def _():
        out_ref[...] = jnp.zeros_like(out_ref)

    @pl.when(g < nact_ref[0])
    def _():
        e = sched_ref[g]
        h1 = jnp.dot(x_ref[...], w1_ref[0], preferred_element_type=f32)
        h1 = h1 + b1_ref[pl.ds(e, 1), :]
        h2 = jnp.dot(h1, w2_ref[0], preferred_element_type=f32)
        h2 = h2 + b2_ref[pl.ds(e, 1), :]
        a = h2 * (1.0 / (1.0 + jnp.exp(-h2)))
        y = jnp.dot(a, w3_ref[0], preferred_element_type=f32)
        y = y + b3_ref[pl.ds(e, 1), :]

        c = (jnp.where(ai_ref[0:1, :] == e, wv_ref[0:1, :], f32(0.0))
             + jnp.where(ai_ref[1:2, :] == e, wv_ref[1:2, :], f32(0.0)))
        ii = lax.broadcasted_iota(jnp.int32, (T, T), 0)
        jj = lax.broadcasted_iota(jnp.int32, (T, T), 1)
        dc = jnp.where(ii == jj, c, f32(0.0))
        out_ref[...] += jnp.dot(dc, y, preferred_element_type=f32)


def kernel(x, Wr, br, W1, b1, W2, b2, W3, b3):
    B, S, D = x.shape
    E = Wr.shape[1]
    H = W1.shape[2]
    T = B * S
    x2 = x.reshape(T, D)

    logits_t = pl.pallas_call(
        _logits_kernel,
        out_shape=jax.ShapeDtypeStruct((E, T), jnp.float32),
    )(x2, Wr, br.reshape(E, 1))

    sc_router = functools.partial(
        pl.kernel,
        out_type=[
            jax.ShapeDtypeStruct((2, T), jnp.int32),
            jax.ShapeDtypeStruct((2, T), jnp.float32),
            jax.ShapeDtypeStruct((E,), jnp.int32),
            jax.ShapeDtypeStruct((16,), jnp.int32),
        ],
        mesh=plsc.VectorSubcoreMesh(core_axis_name="c", subcore_axis_name="s",
                                    num_cores=1),
        compiler_params=pltpu.CompilerParams(needs_layout_passes=False),
        scratch_types=[
            pltpu.VMEM((E, T), jnp.float32),
            pltpu.VMEM((E,), jnp.float32),
            pltpu.VMEM((2, T), jnp.int32),
            pltpu.VMEM((2, T), jnp.float32),
            pltpu.VMEM((E,), jnp.int32),
            pltpu.VMEM((16,), jnp.int32),
        ],
    )(_sc_router_body)
    ai, wv, sched, nactv = sc_router(logits_t)

    out = pl.pallas_call(
        _expert_kernel,
        grid_spec=pltpu.PrefetchScalarGridSpec(
            num_scalar_prefetch=2,
            grid=(E,),
            in_specs=[
                pl.BlockSpec((T, D), lambda g, s, n: (0, 0)),
                pl.BlockSpec((1, D, H), lambda g, s, n: (s[g], 0, 0)),
                pl.BlockSpec((E, H), lambda g, s, n: (0, 0)),
                pl.BlockSpec((1, H, H), lambda g, s, n: (s[g], 0, 0)),
                pl.BlockSpec((E, H), lambda g, s, n: (0, 0)),
                pl.BlockSpec((1, H, D), lambda g, s, n: (s[g], 0, 0)),
                pl.BlockSpec((E, D), lambda g, s, n: (0, 0)),
                pl.BlockSpec((2, T), lambda g, s, n: (0, 0)),
                pl.BlockSpec((2, T), lambda g, s, n: (0, 0)),
            ],
            out_specs=pl.BlockSpec((T, D), lambda g, s, n: (0, 0)),
        ),
        out_shape=jax.ShapeDtypeStruct((T, D), jnp.float32),
        compiler_params=pltpu.CompilerParams(
            dimension_semantics=("arbitrary",),
        ),
    )(sched, nactv, x2, W1, b1, W2, b2, W3, b3, ai, wv)

    return out.reshape(B, S, D)

# --- scband reference (transcript-rebuilt; emitter-appended) ---
"""Pipeline reference for scband-orky-mo-elayer-19258633356064 (READ-ONLY COPY).

The authoritative reference and input builder live on the scoring server;
editing this copy changes nothing except your own understanding.
"""

import jax, jax.numpy as jnp
import numpy as np

B = 64
S = 1
D = 1024
E = 64
H = 512
K = 2


def setup_inputs(seed: int = 0) -> dict:
    key = jax.random.key(seed)
    ks = jax.random.split(key, 6)
    x = jax.random.normal(ks[0], (B, S, D), dtype=jnp.float32)
    Wr = jax.random.normal(ks[1], (D, E), dtype=jnp.float32) * (1.0 / np.sqrt(D))
    br = jnp.zeros((E,), dtype=jnp.float32)
    W1 = jax.random.normal(ks[2], (E, D, H), dtype=jnp.float32) * (1.0 / np.sqrt(D))
    b1 = jnp.zeros((E, H), dtype=jnp.float32)
    W2 = jax.random.normal(ks[3], (E, H, H), dtype=jnp.float32) * (1.0 / np.sqrt(H))
    b2 = jnp.zeros((E, H), dtype=jnp.float32)
    W3 = jax.random.normal(ks[4], (E, H, D), dtype=jnp.float32) * (1.0 / np.sqrt(H))
    b3 = jnp.zeros((E, D), dtype=jnp.float32)
    return {"x": x, "Wr": Wr, "br": br, "W1": W1, "b1": b1, "W2": W2, "b2": b2, "W3": W3, "b3": b3}


def reference(x, Wr, br, W1, b1, W2, b2, W3, b3):
    # Router: logits -> softmax -> top-k -> renormalize (faithful to OrkyRouter)
    logits = jnp.einsum('bsd,de->bse', x, Wr) + br
    probs = jax.nn.softmax(logits, axis=-1)
    topk_probs, expert_idx = jax.lax.top_k(probs, K)  # [B,S,K]
    weights = topk_probs / jnp.sum(topk_probs, axis=-1, keepdims=True)
    # Experts: compute every expert densely on every token (same math as the
    # per-position loop in OrkyMoELayer), then gather the top-k expert outputs.
    h1 = jnp.einsum('bsd,edh->bseh', x, W1) + b1[None, None]          # input proj
    h2 = jnp.einsum('bseh,ehg->bseg', h1, W2) + b2[None, None]        # processor
    a = jax.nn.silu(h2)                                               # SiLU
    y = jnp.einsum('bseh,ehd->bsed', a, W3) + b3[None, None]          # output proj
    y_sel = jnp.take_along_axis(y, expert_idx[..., None], axis=2)     # [B,S,K,D]
    out = jnp.sum(weights[..., None] * y_sel, axis=2)                 # weighted combine
    return out

if __name__ == "__main__":
    import jax
    _d = setup_inputs()
    print(jax.jit(kernel)(*tuple(_d.values())))

</pallas_src>

<mosaic_0001>
#map = affine_map<(d0, d1) -> (0, 0)>
#map1 = affine_map<(d0, d1) -> (0)>
module attributes {stable_mosaic.version = 14 : i64} {
  func.func @_sc_router_body(%arg0: i32, %arg1: i32, %arg2: memref<64x64xf32, #tpu.memory_space<hbm>>, %arg3: memref<2x64xi32, #tpu.memory_space<hbm>>, %arg4: memref<2x64xf32, #tpu.memory_space<hbm>>, %arg5: memref<64xi32, #tpu.memory_space<hbm>>, %arg6: memref<16xi32, #tpu.memory_space<hbm>>, %arg7: memref<64x64xf32, #tpu.memory_space<vmem>>, %arg8: memref<64xf32, #tpu.memory_space<vmem>>, %arg9: memref<2x64xi32, #tpu.memory_space<vmem>>, %arg10: memref<2x64xf32, #tpu.memory_space<vmem>>, %arg11: memref<64xi32, #tpu.memory_space<vmem>>, %arg12: memref<16xi32, #tpu.memory_space<vmem>>) attributes {dimension_semantics = [#tpu.dimension_semantics<core_parallel>, #tpu.dimension_semantics<subcore_parallel>], iteration_bounds = array<i64: 1, 16>, scalar_prefetch = 0 : i64, scratch_operands = 6 : i64, tpu.core_type = #tpu.core_type<sc_vector_subcore>, window_params = [{transform_indices = #map}, {transform_indices = #map}, {transform_indices = #map}, {transform_indices = #map1}, {transform_indices = #map1}]} {
    %eq3A = arith.constant 0 : i32
    %eq3A_0 = arith.cmpi eq, %arg0, %eq3A : i32
    %eq3A_1 = arith.constant 0 : i32
    %eq3A_2 = arith.cmpi eq, %arg1, %eq3A_1 : i32
    %and3A = arith.andi %eq3A_0, %eq3A_2 : i1
    %convert_element_type3A = arith.extui %and3A : i1 to i32
    %cond3A = arith.constant 0 : i32
    %cond3A_3 = arith.cmpi ne, %convert_element_type3A, %cond3A : i32
    scf.if %cond3A_3 {
      "tpu.region"() ({
        %run_scoped3A = tpu.sem_alloc : memref<!tpu.dma_semaphore, #tpu.memory_space<semaphore_mem>>
        tpu.enqueue_dma source(%arg2 : memref<64x64xf32, #tpu.memory_space<hbm>>) target(%arg7 : memref<64x64xf32, #tpu.memory_space<vmem>>) target_semaphore(%run_scoped3A : memref<!tpu.dma_semaphore, #tpu.memory_space<semaphore_mem>>)
        tpu.wait_dma2 semaphore(%run_scoped3A : memref<!tpu.dma_semaphore, #tpu.memory_space<semaphore_mem>>) src(%arg2 : memref<64x64xf32, #tpu.memory_space<hbm>>) dst(%arg7 : memref<64x64xf32, #tpu.memory_space<vmem>>)
        tpu.yield
      }) : () -> ()
      %iota3A = tpu.iota {dimensions = array<i32: 0>} : vector<16xi32>
      %broadcast_in_dim3A = arith.constant 0xFF800000 : f32
      %broadcast_in_dim3A_4 = vector.broadcast %broadcast_in_dim3A : f32 to vector<16xf32>
      %broadcast_in_dim3A_5 = arith.constant 0 : i32
      %broadcast_in_dim3A_6 = vector.broadcast %broadcast_in_dim3A_5 : i32 to vector<16xi32>
      %scan3A = arith.constant 0 : i32
      %scan3A_7 = arith.constant 64 : i32
      %scan3A_8 = arith.addi %scan3A, %scan3A_7 : i32
      %scan3A_9 = arith.constant 1 : i32
      %scan3A_10:16 = scf.for %scan3A_307 = %scan3A to %scan3A_8 step %scan3A_9 iter_args(%scan3A_308 = %broadcast_in_dim3A_4, %scan3A_309 = %broadcast_in_dim3A_4, %scan3A_310 = %broadcast_in_dim3A_4, %scan3A_311 = %broadcast_in_dim3A_4, %scan3A_312 = %broadcast_in_dim3A_6, %scan3A_313 = %broadcast_in_dim3A_6, %scan3A_314 = %broadcast_in_dim3A_6, %scan3A_315 = %broadcast_in_dim3A_6, %scan3A_316 = %broadcast_in_dim3A_4, %scan3A_317 = %broadcast_in_dim3A_4, %scan3A_318 = %broadcast_in_dim3A_4, %scan3A_319 = %broadcast_in_dim3A_4, %scan3A_320 = %broadcast_in_dim3A_6, %scan3A_321 = %broadcast_in_dim3A_6, %scan3A_322 = %broadcast_in_dim3A_6, %scan3A_323 = %broadcast_in_dim3A_6) -> (vector<16xf32>, vector<16xf32>, vector<16xf32>, vector<16xf32>, vector<16xi32>, vector<16xi32>, vector<16xi32>, vector<16xi32>, vector<16xf32>, vector<16xf32>, vector<16xf32>, vector<16xf32>, vector<16xi32>, vector<16xi32>, vector<16xi32>, vector<16xi32>)  : i32 {
        %broadcast_in_dim3A_324 = vector.broadcast %scan3A_307 : i32 to vector<16xi32>
        %get3A_325 = arith.index_cast %scan3A_307 : i32 to index
        %get3A_326 = arith.constant 0 : index
        %get3A_327 = tpu.vector_load %arg7[%get3A_325, %get3A_326] {strides = array<i32>} : memref<64x64xf32, #tpu.memory_space<vmem>>, vector<16xf32>,
        %gt3A_328 = arith.cmpf ogt, %get3A_327, %scan3A_308 : vector<16xf32>
        %gt3A_329 = arith.cmpf ogt, %get3A_327, %scan3A_316 : vector<16xf32>
        %select_n3A_330 = arith.select %gt3A_329, %get3A_327, %scan3A_316 : vector<16xi1>, vector<16xf32>
        %select_n3A_331 = arith.select %gt3A_328, %scan3A_308, %select_n3A_330 : vector<16xi1>, vector<16xf32>
        %select_n3A_332 = arith.select %gt3A_329, %broadcast_in_dim3A_324, %scan3A_320 : vector<16xi1>, vector<16xi32>
        %select_n3A_333 = arith.select %gt3A_328, %scan3A_312, %select_n3A_332 : vector<16xi1>, vector<16xi32>
        %select_n3A_334 = arith.select %gt3A_328, %get3A_327, %scan3A_308 : vector<16xi1>, vector<16xf32>
        %select_n3A_335 = arith.select %gt3A_328, %broadcast_in_dim3A_324, %scan3A_312 : vector<16xi1>, vector<16xi32>
        %get3A_336 = arith.index_cast %scan3A_307 : i32 to index
        %get3A_337 = arith.constant 16 : index
        %get3A_338 = tpu.vector_load %arg7[%get3A_336, %get3A_337] {strides = array<i32>} : memref<64x64xf32, #tpu.memory_space<vmem>>, vector<16xf32>,
        %gt3A_339 = arith.cmpf ogt, %get3A_338, %scan3A_309 : vector<16xf32>
        %gt3A_340 = arith.cmpf ogt, %get3A_338, %scan3A_317 : vector<16xf32>
        %select_n3A_341 = arith.select %gt3A_340, %get3A_338, %scan3A_317 : vector<16xi1>, vector<16xf32>
        %select_n3A_342 = arith.select %gt3A_339, %scan3A_309, %select_n3A_341 : vector<16xi1>, vector<16xf32>
        %select_n3A_343 = arith.select %gt3A_340, %broadcast_in_dim3A_324, %scan3A_321 : vector<16xi1>, vector<16xi32>
        %select_n3A_344 = arith.select %gt3A_339, %scan3A_313, %select_n3A_343 : vector<16xi1>, vector<16xi32>
        %select_n3A_345 = arith.select %gt3A_339, %get3A_338, %scan3A_309 : vector<16xi1>, vector<16xf32>
        %select_n3A_346 = arith.select %gt3A_339, %broadcast_in_dim3A_324, %scan3A_313 : vector<16xi1>, vector<16xi32>
        %get3A_347 = arith.index_cast %scan3A_307 : i32 to index
        %get3A_348 = arith.constant 32 : index
        %get3A_349 = tpu.vector_load %arg7[%get3A_347, %get3A_348] {strides = array<i32>} : memref<64x64xf32, #tpu.memory_space<vmem>>, vector<16xf32>,
        %gt3A_350 = arith.cmpf ogt, %get3A_349, %scan3A_310 : vector<16xf32>
        %gt3A_351 = arith.cmpf ogt, %get3A_349, %scan3A_318 : vector<16xf32>
        %select_n3A_352 = arith.select %gt3A_351, %get3A_349, %scan3A_318 : vector<16xi1>, vector<16xf32>
        %select_n3A_353 = arith.select %gt3A_350, %scan3A_310, %select_n3A_352 : vector<16xi1>, vector<16xf32>
        %select_n3A_354 = arith.select %gt3A_351, %broadcast_in_dim3A_324, %scan3A_322 : vector<16xi1>, vector<16xi32>
        %select_n3A_355 = arith.select %gt3A_350, %scan3A_314, %select_n3A_354 : vector<16xi1>, vector<16xi32>
        %select_n3A_356 = arith.select %gt3A_350, %get3A_349, %scan3A_310 : vector<16xi1>, vector<16xf32>
        %select_n3A_357 = arith.select %gt3A_350, %broadcast_in_dim3A_324, %scan3A_314 : vector<16xi1>, vector<16xi32>
        %get3A_358 = arith.index_cast %scan3A_307 : i32 to index
        %get3A_359 = arith.constant 48 : index
        %get3A_360 = tpu.vector_load %arg7[%get3A_358, %get3A_359] {strides = array<i32>} : memref<64x64xf32, #tpu.memory_space<vmem>>, vector<16xf32>,
        %gt3A_361 = arith.cmpf ogt, %get3A_360, %scan3A_311 : vector<16xf32>
        %gt3A_362 = arith.cmpf ogt, %get3A_360, %scan3A_319 : vector<16xf32>
        %select_n3A_363 = arith.select %gt3A_362, %get3A_360, %scan3A_319 : vector<16xi1>, vector<16xf32>
        %select_n3A_364 = arith.select %gt3A_361, %scan3A_311, %select_n3A_363 : vector<16xi1>, vector<16xf32>
        %select_n3A_365 = arith.select %gt3A_362, %broadcast_in_dim3A_324, %scan3A_323 : vector<16xi1>, vector<16xi32>
        %select_n3A_366 = arith.select %gt3A_361, %scan3A_315, %select_n3A_365 : vector<16xi1>, vector<16xi32>
        %select_n3A_367 = arith.select %gt3A_361, %get3A_360, %scan3A_311 : vector<16xi1>, vector<16xf32>
        %select_n3A_368 = arith.select %gt3A_361, %broadcast_in_dim3A_324, %scan3A_315 : vector<16xi1>, vector<16xi32>
        scf.yield %select_n3A_334, %select_n3A_345, %select_n3A_356, %select_n3A_367, %select_n3A_335, %select_n3A_346, %select_n3A_357, %select_n3A_368, %select_n3A_331, %select_n3A_342, %select_n3A_353, %select_n3A_364, %select_n3A_333, %select_n3A_344, %select_n3A_355, %select_n3A_366 : vector<16xf32>, vector<16xf32>, vector<16xf32>, vector<16xf32>, vector<16xi32>, vector<16xi32>, vector<16xi32>, vector<16xi32>, vector<16xf32>, vector<16xf32>, vector<16xf32>, vector<16xf32>, vector<16xi32>, vector<16xi32>, vector<16xi32>, vector<16xi32>
      }
      %scan3A_11 = arith.constant 64 : i32
      %broadcast_in_dim3A_12 = arith.constant 1.000000e+00 : f32
      %broadcast_in_dim3A_13 = vector.broadcast %broadcast_in_dim3A_12 : f32 to vector<16xf32>
      %sub3A = arith.subf %scan3A_10#8, %scan3A_10#0 : vector<16xf32>
      %exp3A = math.exp %sub3A : vector<16xf32>
      %add3A = arith.constant 1.000000e+00 : f32
      %add3A_14 = vector.broadcast %add3A : f32 to vector<16xf32>
      %add3A_15 = arith.addf %add3A_14, %exp3A : vector<16xf32>
      %div3A = arith.constant 1.000000e+00 : f32
      %div3A_16 = vector.broadcast %div3A : f32 to vector<16xf32>
      %div3A_17 = arith.divf %div3A_16, %add3A_15 : vector<16xf32>
      %swap3A = arith.constant 0 : i32
      %swap3A_18 = arith.index_cast %swap3A : i32 to index
      %swap3A_19 = arith.constant 0 : index
      %swap3A_20 = tpu.vector_load %arg9[%swap3A_18, %swap3A_19] {strides = array<i32>} : memref<2x64xi32, #tpu.memory_space<vmem>>, vector<16xi32>,
      tpu.vector_store %arg9[%swap3A_18, %swap3A_19], %scan3A_10#4 {strides = array<i32>} : memref<2x64xi32, #tpu.memory_space<vmem>>, vector<16xi32>,
      %swap3A_21 = arith.constant 1 : i32
      %swap3A_22 = arith.index_cast %swap3A_21 : i32 to index
      %swap3A_23 = arith.constant 0 : index
      %swap3A_24 = tpu.vector_load %arg9[%swap3A_22, %swap3A_23] {strides = array<i32>} : memref<2x64xi32, #tpu.memory_space<vmem>>, vector<16xi32>,
      tpu.vector_store %arg9[%swap3A_22, %swap3A_23], %scan3A_10#12 {strides = array<i32>} : memref<2x64xi32, #tpu.memory_space<vmem>>, vector<16xi32>,
      %swap3A_25 = arith.constant 0 : i32
      %swap3A_26 = arith.index_cast %swap3A_25 : i32 to index
      %swap3A_27 = arith.constant 0 : index
      %swap3A_28 = tpu.vector_load %arg10[%swap3A_26, %swap3A_27] {strides = array<i32>} : memref<2x64xf32, #tpu.memory_space<vmem>>, vector<16xf32>,
      tpu.vector_store %arg10[%swap3A_26, %swap3A_27], %div3A_17 {strides = array<i32>} : memref<2x64xf32, #tpu.memory_space<vmem>>, vector<16xf32>,
      %sub3A_29 = arith.constant 1.000000e+00 : f32
      %sub3A_30 = vector.broadcast %sub3A_29 : f32 to vector<16xf32>
      %sub3A_31 = arith.subf %sub3A_30, %div3A_17 : vector<16xf32>
      %swap3A_32 = arith.constant 1 : i32
      %swap3A_33 = arith.index_cast %swap3A_32 : i32 to index
      %swap3A_34 = arith.constant 0 : index
      %swap3A_35 = tpu.vector_load %arg10[%swap3A_33, %swap3A_34] {strides = array<i32>} : memref<2x64xf32, #tpu.memory_space<vmem>>, vector<16xf32>,
      tpu.vector_store %arg10[%swap3A_33, %swap3A_34], %sub3A_31 {strides = array<i32>} : memref<2x64xf32, #tpu.memory_space<vmem>>, vector<16xf32>,
      %sub3A_36 = arith.subf %scan3A_10#9, %scan3A_10#1 : vector<16xf32>
      %exp3A_37 = math.exp %sub3A_36 : vector<16xf32>
      %add3A_38 = arith.constant 1.000000e+00 : f32
      %add3A_39 = vector.broadcast %add3A_38 : f32 to vector<16xf32>
      %add3A_40 = arith.addf %add3A_39, %exp3A_37 : vector<16xf32>
      %div3A_41 = arith.constant 1.000000e+00 : f32
      %div3A_42 = vector.broadcast %div3A_41 : f32 to vector<16xf32>
      %div3A_43 = arith.divf %div3A_42, %add3A_40 : vector<16xf32>
      %swap3A_44 = arith.constant 0 : i32
      %swap3A_45 = arith.index_cast %swap3A_44 : i32 to index
      %swap3A_46 = arith.constant 16 : index
      %swap3A_47 = tpu.vector_load %arg9[%swap3A_45, %swap3A_46] {strides = array<i32>} : memref<2x64xi32, #tpu.memory_space<vmem>>, vector<16xi32>,
      tpu.vector_store %arg9[%swap3A_45, %swap3A_46], %scan3A_10#5 {strides = array<i32>} : memref<2x64xi32, #tpu.memory_space<vmem>>, vector<16xi32>,
      %swap3A_48 = arith.constant 1 : i32
      %swap3A_49 = arith.index_cast %swap3A_48 : i32 to index
      %swap3A_50 = arith.constant 16 : index
      %swap3A_51 = tpu.vector_load %arg9[%swap3A_49, %swap3A_50] {strides = array<i32>} : memref<2x64xi32, #tpu.memory_space<vmem>>, vector<16xi32>,
      tpu.vector_store %arg9[%swap3A_49, %swap3A_50], %scan3A_10#13 {strides = array<i32>} : memref<2x64xi32, #tpu.memory_space<vmem>>, vector<16xi32>,
      %swap3A_52 = arith.constant 0 : i32
      %swap3A_53 = arith.index_cast %swap3A_52 : i32 to index
      %swap3A_54 = arith.constant 16 : index
      %swap3A_55 = tpu.vector_load %arg10[%swap3A_53, %swap3A_54] {strides = array<i32>} : memref<2x64xf32, #tpu.memory_space<vmem>>, vector<16xf32>,
      tpu.vector_store %arg10[%swap3A_53, %swap3A_54], %div3A_43 {strides = array<i32>} : memref<2x64xf32, #tpu.memory_space<vmem>>, vector<16xf32>,
      %sub3A_56 = arith.constant 1.000000e+00 : f32
      %sub3A_57 = vector.broadcast %sub3A_56 : f32 to vector<16xf32>
      %sub3A_58 = arith.subf %sub3A_57, %div3A_43 : vector<16xf32>
      %swap3A_59 = arith.constant 1 : i32
      %swap3A_60 = arith.index_cast %swap3A_59 : i32 to index
      %swap3A_61 = arith.constant 16 : index
      %swap3A_62 = tpu.vector_load %arg10[%swap3A_60, %swap3A_61] {strides = array<i32>} : memref<2x64xf32, #tpu.memory_space<vmem>>, vector<16xf32>,
      tpu.vector_store %arg10[%swap3A_60, %swap3A_61], %sub3A_58 {strides = array<i32>} : memref<2x64xf32, #tpu.memory_space<vmem>>, vector<16xf32>,
      %sub3A_63 = arith.subf %scan3A_10#10, %scan3A_10#2 : vector<16xf32>
      %exp3A_64 = math.exp %sub3A_63 : vector<16xf32>
      %add3A_65 = arith.constant 1.000000e+00 : f32
      %add3A_66 = vector.broadcast %add3A_65 : f32 to vector<16xf32>
      %add3A_67 = arith.addf %add3A_66, %exp3A_64 : vector<16xf32>
      %div3A_68 = arith.constant 1.000000e+00 : f32
      %div3A_69 = vector.broadcast %div3A_68 : f32 to vector<16xf32>
      %div3A_70 = arith.divf %div3A_69, %add3A_67 : vector<16xf32>
      %swap3A_71 = arith.constant 0 : i32
      %swap3A_72 = arith.index_cast %swap3A_71 : i32 to index
      %swap3A_73 = arith.constant 32 : index
      %swap3A_74 = tpu.vector_load %arg9[%swap3A_72, %swap3A_73] {strides = array<i32>} : memref<2x64xi32, #tpu.memory_space<vmem>>, vector<16xi32>,
      tpu.vector_store %arg9[%swap3A_72, %swap3A_73], %scan3A_10#6 {strides = array<i32>} : memref<2x64xi32, #tpu.memory_space<vmem>>, vector<16xi32>,
      %swap3A_75 = arith.constant 1 : i32
      %swap3A_76 = arith.index_cast %swap3A_75 : i32 to index
      %swap3A_77 = arith.constant 32 : index
      %swap3A_78 = tpu.vector_load %arg9[%swap3A_76, %swap3A_77] {strides = array<i32>} : memref<2x64xi32, #tpu.memory_space<vmem>>, vector<16xi32>,
      tpu.vector_store %arg9[%swap3A_76, %swap3A_77], %scan3A_10#14 {strides = array<i32>} : memref<2x64xi32, #tpu.memory_space<vmem>>, vector<16xi32>,
      %swap3A_79 = arith.constant 0 : i32
      %swap3A_80 = arith.index_cast %swap3A_79 : i32 to index
      %swap3A_81 = arith.constant 32 : index
      %swap3A_82 = tpu.vector_load %arg10[%swap3A_80, %swap3A_81] {strides = array<i32>} : memref<2x64xf32, #tpu.memory_space<vmem>>, vector<16xf32>,
      tpu.vector_store %arg10[%swap3A_80, %swap3A_81], %div3A_70 {strides = array<i32>} : memref<2x64xf32, #tpu.memory_space<vmem>>, vector<16xf32>,
      %sub3A_83 = arith.constant 1.000000e+00 : f32
      %sub3A_84 = vector.broadcast %sub3A_83 : f32 to vector<16xf32>
      %sub3A_85 = arith.subf %sub3A_84, %div3A_70 : vector<16xf32>
      %swap3A_86 = arith.constant 1 : i32
      %swap3A_87 = arith.index_cast %swap3A_86 : i32 to index
      %swap3A_88 = arith.constant 32 : index
      %swap3A_89 = tpu.vector_load %arg10[%swap3A_87, %swap3A_88] {strides = array<i32>} : memref<2x64xf32, #tpu.memory_space<vmem>>, vector<16xf32>,
      tpu.vector_store %arg10[%swap3A_87, %swap3A_88], %sub3A_85 {strides = array<i32>} : memref<2x64xf32, #tpu.memory_space<vmem>>, vector<16xf32>,
      %sub3A_90 = arith.subf %scan3A_10#11, %scan3A_10#3 : vector<16xf32>
      %exp3A_91 = math.exp %sub3A_90 : vector<16xf32>
      %add3A_92 = arith.constant 1.000000e+00 : f32
      %add3A_93 = vector.broadcast %add3A_92 : f32 to vector<16xf32>
      %add3A_94 = arith.addf %add3A_93, %exp3A_91 : vector<16xf32>
      %div3A_95 = arith.constant 1.000000e+00 : f32
      %div3A_96 = vector.broadcast %div3A_95 : f32 to vector<16xf32>
      %div3A_97 = arith.divf %div3A_96, %add3A_94 : vector<16xf32>
      %swap3A_98 = arith.constant 0 : i32
      %swap3A_99 = arith.index_cast %swap3A_98 : i32 to index
      %swap3A_100 = arith.constant 48 : index
      %swap3A_101 = tpu.vector_load %arg9[%swap3A_99, %swap3A_100] {strides = array<i32>} : memref<2x64xi32, #tpu.memory_space<vmem>>, vector<16xi32>,
      tpu.vector_store %arg9[%swap3A_99, %swap3A_100], %scan3A_10#7 {strides = array<i32>} : memref<2x64xi32, #tpu.memory_space<vmem>>, vector<16xi32>,
      %swap3A_102 = arith.constant 1 : i32
      %swap3A_103 = arith.index_cast %swap3A_102 : i32 to index
      %swap3A_104 = arith.constant 48 : index
      %swap3A_105 = tpu.vector_load %arg9[%swap3A_103, %swap3A_104] {strides = array<i32>} : memref<2x64xi32, #tpu.memory_space<vmem>>, vector<16xi32>,
      tpu.vector_store %arg9[%swap3A_103, %swap3A_104], %scan3A_10#15 {strides = array<i32>} : memref<2x64xi32, #tpu.memory_space<vmem>>, vector<16xi32>,
      %swap3A_106 = arith.constant 0 : i32
      %swap3A_107 = arith.index_cast %swap3A_106 : i32 to index
      %swap3A_108 = arith.constant 48 : index
      %swap3A_109 = tpu.vector_load %arg10[%swap3A_107, %swap3A_108] {strides = array<i32>} : memref<2x64xf32, #tpu.memory_space<vmem>>, vector<16xf32>,
      tpu.vector_store %arg10[%swap3A_107, %swap3A_108], %div3A_97 {strides = array<i32>} : memref<2x64xf32, #tpu.memory_space<vmem>>, vector<16xf32>,
      %sub3A_110 = arith.constant 1.000000e+00 : f32
      %sub3A_111 = vector.broadcast %sub3A_110 : f32 to vector<16xf32>
      %sub3A_112 = arith.subf %sub3A_111, %div3A_97 : vector<16xf32>
      %swap3A_113 = arith.constant 1 : i32
      %swap3A_114 = arith.index_cast %swap3A_113 : i32 to index
      %swap3A_115 = arith.constant 48 : index
      %swap3A_116 = tpu.vector_load %arg10[%swap3A_114, %swap3A_115] {strides = array<i32>} : memref<2x64xf32, #tpu.memory_space<vmem>>, vector<16xf32>,
      tpu.vector_store %arg10[%swap3A_114, %swap3A_115], %sub3A_112 {strides = array<i32>} : memref<2x64xf32, #tpu.memory_space<vmem>>, vector<16xf32>,
      %broadcast_in_dim3A_117 = arith.constant 0.000000e+00 : f32
      %broadcast_in_dim3A_118 = vector.broadcast %broadcast_in_dim3A_117 : f32 to vector<16xf32>
      %swap3A_119 = arith.constant 0 : index
      %swap3A_120 = tpu.vector_load %arg8[%swap3A_119] {strides = array<i32>} : memref<64xf32, #tpu.memory_space<vmem>>, vector<16xf32>,
      tpu.vector_store %arg8[%swap3A_119], %broadcast_in_dim3A_118 {strides = array<i32>} : memref<64xf32, #tpu.memory_space<vmem>>, vector<16xf32>,
      %broadcast_in_dim3A_121 = arith.constant 0.000000e+00 : f32
      %broadcast_in_dim3A_122 = vector.broadcast %broadcast_in_dim3A_121 : f32 to vector<16xf32>
      %swap3A_123 = arith.constant 16 : index
      %swap3A_124 = tpu.vector_load %arg8[%swap3A_123] {strides = array<i32>} : memref<64xf32, #tpu.memory_space<vmem>>, vector<16xf32>,
      tpu.vector_store %arg8[%swap3A_123], %broadcast_in_dim3A_122 {strides = array<i32>} : memref<64xf32, #tpu.memory_space<vmem>>, vector<16xf32>,
      %broadcast_in_dim3A_125 = arith.constant 0.000000e+00 : f32
      %broadcast_in_dim3A_126 = vector.broadcast %broadcast_in_dim3A_125 : f32 to vector<16xf32>
      %swap3A_127 = arith.constant 32 : index
      %swap3A_128 = tpu.vector_load %arg8[%swap3A_127] {strides = array<i32>} : memref<64xf32, #tpu.memory_space<vmem>>, vector<16xf32>,
      tpu.vector_store %arg8[%swap3A_127], %broadcast_in_dim3A_126 {strides = array<i32>} : memref<64xf32, #tpu.memory_space<vmem>>, vector<16xf32>,
      %broadcast_in_dim3A_129 = arith.constant 0.000000e+00 : f32
      %broadcast_in_dim3A_130 = vector.broadcast %broadcast_in_dim3A_129 : f32 to vector<16xf32>
      %swap3A_131 = arith.constant 48 : index
      %swap3A_132 = tpu.vector_load %arg8[%swap3A_131] {strides = array<i32>} : memref<64xf32, #tpu.memory_space<vmem>>, vector<16xf32>,
      tpu.vector_store %arg8[%swap3A_131], %broadcast_in_dim3A_130 {strides = array<i32>} : memref<64xf32, #tpu.memory_space<vmem>>, vector<16xf32>,
      tpu.vector_store_idx %arg8[%scan3A_10#4], %broadcast_in_dim3A_13 : memref<64xf32, #tpu.memory_space<vmem>>[vector<16xi32>], vector<16xf32>,
      tpu.vector_store_idx %arg8[%scan3A_10#12], %broadcast_in_dim3A_13 : memref<64xf32, #tpu.memory_space<vmem>>[vector<16xi32>], vector<16xf32>,
      tpu.vector_store_idx %arg8[%scan3A_10#5], %broadcast_in_dim3A_13 : memref<64xf32, #tpu.memory_space<vmem>>[vector<16xi32>], vector<16xf32>,
      tpu.vector_store_idx %arg8[%scan3A_10#13], %broadcast_in_dim3A_13 : memref<64xf32, #tpu.memory_space<vmem>>[vector<16xi32>], vector<16xf32>,
      tpu.vector_store_idx %arg8[%scan3A_10#6], %broadcast_in_dim3A_13 : memref<64xf32, #tpu.memory_space<vmem>>[vector<16xi32>], vector<16xf32>,
      tpu.vector_store_idx %arg8[%scan3A_10#14], %broadcast_in_dim3A_13 : memref<64xf32, #tpu.memory_space<vmem>>[vector<16xi32>], vector<16xf32>,
      tpu.vector_store_idx %arg8[%scan3A_10#7], %broadcast_in_dim3A_13 : memref<64xf32, #tpu.memory_space<vmem>>[vector<16xi32>], vector<16xf32>,
      tpu.vector_store_idx %arg8[%scan3A_10#15], %broadcast_in_dim3A_13 : memref<64xf32, #tpu.memory_space<vmem>>[vector<16xi32>], vector<16xf32>,
      %get3A = arith.constant 0 : index
      %get3A_133 = tpu.vector_load %arg8[%get3A] {strides = array<i32>} : memref<64xf32, #tpu.memory_space<vmem>>, vector<16xf32>,
      %broadcast_in_dim3A_134 = arith.constant true
      %broadcast_in_dim3A_135 = vector.broadcast %broadcast_in_dim3A_134 : i1 to vector<16xi1>
      %masked_cumsum3A = tpu.scan <sum>, %get3A_133 masked %broadcast_in_dim3A_135 : vector<16xf32>, vector<16xi1> -> vector<16xf32>
      %add3A_136 = arith.constant 0.000000e+00 : f32
      %add3A_137 = vector.broadcast %add3A_136 : f32 to vector<16xf32>
      %add3A_138 = arith.addf %masked_cumsum3A, %add3A_137 : vector<16xf32>
      %reduce_sum3A = arith.constant true
      %reduce_sum3A_139 = vector.broadcast %reduce_sum3A : i1 to vector<16xi1>
      %reduce_sum3A_140 = tpu.scan <sum>, %get3A_133 masked %reduce_sum3A_139 : vector<16xf32>, vector<16xi1> -> vector<16xf32>
      %reduce_sum3A_141 = vector.extract %reduce_sum3A_140[15] : f32 from vector<16xf32>
      %add3A_142 = arith.constant 0.000000e+00 : f32
      %add3A_143 = arith.addf %add3A_142, %reduce_sum3A_141 : f32
      %add3A_144 = arith.constant 0 : i32
      %add3A_145 = vector.broadcast %add3A_144 : i32 to vector<16xi32>
      %add3A_146 = arith.addi %iota3A, %add3A_145 : vector<16xi32>
      %gt3A = arith.constant 5.000000e-01 : f32
      %gt3A_147 = vector.broadcast %gt3A : f32 to vector<16xf32>
      %gt3A_148 = arith.cmpf ogt, %get3A_133, %gt3A_147 : vector<16xf32>
      %jit3A = arith.constant -1 : i32
      %broadcast_in_dim3A_149 = vector.broadcast %jit3A : i32 to vector<16xi32>
      %select_n3A = arith.select %gt3A_148, %add3A_146, %broadcast_in_dim3A_149 : vector<16xi1>, vector<16xi32>
      %reduce_max3A = arith.constant true
      %reduce_max3A_150 = vector.broadcast %reduce_max3A : i1 to vector<16xi1>
      %reduce_max3A_151 = arith.constant -2147483648 : i32
      %reduce_max3A_152 = vector.broadcast %reduce_max3A_151 : i32 to vector<16xi32>
      %reduce_max3A_153 = arith.xori %select_n3A, %reduce_max3A_152 : vector<16xi32>
      %reduce_max3A_154 = tpu.scan <max>, %reduce_max3A_153 masked %reduce_max3A_150 : vector<16xi32>, vector<16xi1> -> vector<16xi32>
      %reduce_max3A_155 = arith.xori %reduce_max3A_154, %reduce_max3A_152 : vector<16xi32>
      %reduce_max3A_156 = vector.extract %reduce_max3A_155[15] : i32 from vector<16xi32>
      %max3A = arith.constant 0 : i32
      %max3A_157 = arith.maxsi %max3A, %reduce_max3A_156 : i32
      %get3A_158 = arith.constant 16 : index
      %get3A_159 = tpu.vector_load %arg8[%get3A_158] {strides = array<i32>} : memref<64xf32, #tpu.memory_space<vmem>>, vector<16xf32>,
      %broadcast_in_dim3A_160 = arith.constant true
      %broadcast_in_dim3A_161 = vector.broadcast %broadcast_in_dim3A_160 : i1 to vector<16xi1>
      %masked_cumsum3A_162 = tpu.scan <sum>, %get3A_159 masked %broadcast_in_dim3A_161 : vector<16xf32>, vector<16xi1> -> vector<16xf32>
      %add3A_163 = vector.broadcast %add3A_143 : f32 to vector<16xf32>
      %add3A_164 = arith.addf %masked_cumsum3A_162, %add3A_163 : vector<16xf32>
      %reduce_sum3A_165 = arith.constant true
      %reduce_sum3A_166 = vector.broadcast %reduce_sum3A_165 : i1 to vector<16xi1>
      %reduce_sum3A_167 = tpu.scan <sum>, %get3A_159 masked %reduce_sum3A_166 : vector<16xf32>, vector<16xi1> -> vector<16xf32>
      %reduce_sum3A_168 = vector.extract %reduce_sum3A_167[15] : f32 from vector<16xf32>
      %add3A_169 = arith.addf %add3A_143, %reduce_sum3A_168 : f32
      %add3A_170 = arith.constant 16 : i32
      %add3A_171 = vector.broadcast %add3A_170 : i32 to vector<16xi32>
      %add3A_172 = arith.addi %iota3A, %add3A_171 : vector<16xi32>
      %gt3A_173 = arith.constant 5.000000e-01 : f32
      %gt3A_174 = vector.broadcast %gt3A_173 : f32 to vector<16xf32>
      %gt3A_175 = arith.cmpf ogt, %get3A_159, %gt3A_174 : vector<16xf32>
      %jit3A_176 = arith.constant -1 : i32
      %broadcast_in_dim3A_177 = vector.broadcast %jit3A_176 : i32 to vector<16xi32>
      %select_n3A_178 = arith.select %gt3A_175, %add3A_172, %broadcast_in_dim3A_177 : vector<16xi1>, vector<16xi32>
      %reduce_max3A_179 = arith.constant true
      %reduce_max3A_180 = vector.broadcast %reduce_max3A_179 : i1 to vector<16xi1>
      %reduce_max3A_181 = arith.constant -2147483648 : i32
      %reduce_max3A_182 = vector.broadcast %reduce_max3A_181 : i32 to vector<16xi32>
      %reduce_max3A_183 = arith.xori %select_n3A_178, %reduce_max3A_182 : vector<16xi32>
      %reduce_max3A_184 = tpu.scan <max>, %reduce_max3A_183 masked %reduce_max3A_180 : vector<16xi32>, vector<16xi1> -> vector<16xi32>
      %reduce_max3A_185 = arith.xori %reduce_max3A_184, %reduce_max3A_182 : vector<16xi32>
      %reduce_max3A_186 = vector.extract %reduce_max3A_185[15] : i32 from vector<16xi32>
      %max3A_187 = arith.maxsi %max3A_157, %reduce_max3A_186 : i32
      %get3A_188 = arith.constant 32 : index
      %get3A_189 = tpu.vector_load %arg8[%get3A_188] {strides = array<i32>} : memref<64xf32, #tpu.memory_space<vmem>>, vector<16xf32>,
      %broadcast_in_dim3A_190 = arith.constant true
      %broadcast_in_dim3A_191 = vector.broadcast %broadcast_in_dim3A_190 : i1 to vector<16xi1>
      %masked_cumsum3A_192 = tpu.scan <sum>, %get3A_189 masked %broadcast_in_dim3A_191 : vector<16xf32>, vector<16xi1> -> vector<16xf32>
      %add3A_193 = vector.broadcast %add3A_169 : f32 to vector<16xf32>
      %add3A_194 = arith.addf %masked_cumsum3A_192, %add3A_193 : vector<16xf32>
      %reduce_sum3A_195 = arith.constant true
      %reduce_sum3A_196 = vector.broadcast %reduce_sum3A_195 : i1 to vector<16xi1>
      %reduce_sum3A_197 = tpu.scan <sum>, %get3A_189 masked %reduce_sum3A_196 : vector<16xf32>, vector<16xi1> -> vector<16xf32>
      %reduce_sum3A_198 = vector.extract %reduce_sum3A_197[15] : f32 from vector<16xf32>
      %add3A_199 = arith.addf %add3A_169, %reduce_sum3A_198 : f32
      %add3A_200 = arith.constant 32 : i32
      %add3A_201 = vector.broadcast %add3A_200 : i32 to vector<16xi32>
      %add3A_202 = arith.addi %iota3A, %add3A_201 : vector<16xi32>
      %gt3A_203 = arith.constant 5.000000e-01 : f32
      %gt3A_204 = vector.broadcast %gt3A_203 : f32 to vector<16xf32>
      %gt3A_205 = arith.cmpf ogt, %get3A_189, %gt3A_204 : vector<16xf32>
      %jit3A_206 = arith.constant -1 : i32
      %broadcast_in_dim3A_207 = vector.broadcast %jit3A_206 : i32 to vector<16xi32>
      %select_n3A_208 = arith.select %gt3A_205, %add3A_202, %broadcast_in_dim3A_207 : vector<16xi1>, vector<16xi32>
      %reduce_max3A_209 = arith.constant true
      %reduce_max3A_210 = vector.broadcast %reduce_max3A_209 : i1 to vector<16xi1>
      %reduce_max3A_211 = arith.constant -2147483648 : i32
      %reduce_max3A_212 = vector.broadcast %reduce_max3A_211 : i32 to vector<16xi32>
      %reduce_max3A_213 = arith.xori %select_n3A_208, %reduce_max3A_212 : vector<16xi32>
      %reduce_max3A_214 = tpu.scan <max>, %reduce_max3A_213 masked %reduce_max3A_210 : vector<16xi32>, vector<16xi1> -> vector<16xi32>
      %reduce_max3A_215 = arith.xori %reduce_max3A_214, %reduce_max3A_212 : vector<16xi32>
      %reduce_max3A_216 = vector.extract %reduce_max3A_215[15] : i32 from vector<16xi32>
      %max3A_217 = arith.maxsi %max3A_187, %reduce_max3A_216 : i32
      %get3A_218 = arith.constant 48 : index
      %get3A_219 = tpu.vector_load %arg8[%get3A_218] {strides = array<i32>} : memref<64xf32, #tpu.memory_space<vmem>>, vector<16xf32>,
      %broadcast_in_dim3A_220 = arith.constant true
      %broadcast_in_dim3A_221 = vector.broadcast %broadcast_in_dim3A_220 : i1 to vector<16xi1>
      %masked_cumsum3A_222 = tpu.scan <sum>, %get3A_219 masked %broadcast_in_dim3A_221 : vector<16xf32>, vector<16xi1> -> vector<16xf32>
      %add3A_223 = vector.broadcast %add3A_199 : f32 to vector<16xf32>
      %add3A_224 = arith.addf %masked_cumsum3A_222, %add3A_223 : vector<16xf32>
      %reduce_sum3A_225 = arith.constant true
      %reduce_sum3A_226 = vector.broadcast %reduce_sum3A_225 : i1 to vector<16xi1>
      %reduce_sum3A_227 = tpu.scan <sum>, %get3A_219 masked %reduce_sum3A_226 : vector<16xf32>, vector<16xi1> -> vector<16xf32>
      %reduce_sum3A_228 = vector.extract %reduce_sum3A_227[15] : f32 from vector<16xf32>
      %add3A_229 = arith.addf %add3A_199, %reduce_sum3A_228 : f32
      %add3A_230 = arith.constant 48 : i32
      %add3A_231 = vector.broadcast %add3A_230 : i32 to vector<16xi32>
      %add3A_232 = arith.addi %iota3A, %add3A_231 : vector<16xi32>
      %gt3A_233 = arith.constant 5.000000e-01 : f32
      %gt3A_234 = vector.broadcast %gt3A_233 : f32 to vector<16xf32>
      %gt3A_235 = arith.cmpf ogt, %get3A_219, %gt3A_234 : vector<16xf32>
      %jit3A_236 = arith.constant -1 : i32
      %broadcast_in_dim3A_237 = vector.broadcast %jit3A_236 : i32 to vector<16xi32>
      %select_n3A_238 = arith.select %gt3A_235, %add3A_232, %broadcast_in_dim3A_237 : vector<16xi1>, vector<16xi32>
      %reduce_max3A_239 = arith.constant true
      %reduce_max3A_240 = vector.broadcast %reduce_max3A_239 : i1 to vector<16xi1>
      %reduce_max3A_241 = arith.constant -2147483648 : i32
      %reduce_max3A_242 = vector.broadcast %reduce_max3A_241 : i32 to vector<16xi32>
      %reduce_max3A_243 = arith.xori %select_n3A_238, %reduce_max3A_242 : vector<16xi32>
      %reduce_max3A_244 = tpu.scan <max>, %reduce_max3A_243 masked %reduce_max3A_240 : vector<16xi32>, vector<16xi1> -> vector<16xi32>
      %reduce_max3A_245 = arith.xori %reduce_max3A_244, %reduce_max3A_242 : vector<16xi32>
      %reduce_max3A_246 = vector.extract %reduce_max3A_245[15] : i32 from vector<16xi32>
      %max3A_247 = arith.maxsi %max3A_217, %reduce_max3A_246 : i32
      %broadcast_in_dim3A_248 = arith.constant 0 : i32
      %broadcast_in_dim3A_249 = vector.broadcast %broadcast_in_dim3A_248 : i32 to vector<16xi32>
      %add3A_250 = vector.broadcast %max3A_247 : i32 to vector<16xi32>
      %add3A_251 = arith.addi %broadcast_in_dim3A_249, %add3A_250 : vector<16xi32>
      %swap3A_252 = arith.constant 0 : index
      %swap3A_253 = tpu.vector_load %arg11[%swap3A_252] {strides = array<i32>} : memref<64xi32, #tpu.memory_space<vmem>>, vector<16xi32>,
      tpu.vector_store %arg11[%swap3A_252], %add3A_251 {strides = array<i32>} : memref<64xi32, #tpu.memory_space<vmem>>, vector<16xi32>,
      %swap3A_254 = arith.constant 16 : index
      %swap3A_255 = tpu.vector_load %arg11[%swap3A_254] {strides = array<i32>} : memref<64xi32, #tpu.memory_space<vmem>>, vector<16xi32>,
      tpu.vector_store %arg11[%swap3A_254], %add3A_251 {strides = array<i32>} : memref<64xi32, #tpu.memory_space<vmem>>, vector<16xi32>,
      %swap3A_256 = arith.constant 32 : index
      %swap3A_257 = tpu.vector_load %arg11[%swap3A_256] {strides = array<i32>} : memref<64xi32, #tpu.memory_space<vmem>>, vector<16xi32>,
      tpu.vector_store %arg11[%swap3A_256], %add3A_251 {strides = array<i32>} : memref<64xi32, #tpu.memory_space<vmem>>, vector<16xi32>,
      %swap3A_258 = arith.constant 48 : index
      %swap3A_259 = tpu.vector_load %arg11[%swap3A_258] {strides = array<i32>} : memref<64xi32, #tpu.memory_space<vmem>>, vector<16xi32>,
      tpu.vector_store %arg11[%swap3A_258], %add3A_251 {strides = array<i32>} : memref<64xi32, #tpu.memory_space<vmem>>, vector<16xi32>,
      %sub3A_260 = arith.constant 1.000000e+00 : f32
      %sub3A_261 = vector.broadcast %sub3A_260 : f32 to vector<16xf32>
      %sub3A_262 = arith.subf %add3A_138, %sub3A_261 : vector<16xf32>
      %convert_element_type3A_263 = arith.fptosi %sub3A_262 : vector<16xf32> to vector<16xi32>
      %add3A_264 = arith.constant 0 : i32
      %add3A_265 = vector.broadcast %add3A_264 : i32 to vector<16xi32>
      %add3A_266 = arith.addi %iota3A, %add3A_265 : vector<16xi32>
      %gt3A_267 = arith.constant 5.000000e-01 : f32
      %gt3A_268 = vector.broadcast %gt3A_267 : f32 to vector<16xf32>
      %gt3A_269 = arith.cmpf ogt, %get3A_133, %gt3A_268 : vector<16xf32>
      tpu.vector_store_idx %arg11[%convert_element_type3A_263], %add3A_266 masked %gt3A_269 : memref<64xi32, #tpu.memory_space<vmem>>[vector<16xi32>], vector<16xi32>, vector<16xi1>
      %sub3A_270 = arith.constant 1.000000e+00 : f32
      %sub3A_271 = vector.broadcast %sub3A_270 : f32 to vector<16xf32>
      %sub3A_272 = arith.subf %add3A_164, %sub3A_271 : vector<16xf32>
      %convert_element_type3A_273 = arith.fptosi %sub3A_272 : vector<16xf32> to vector<16xi32>
      %add3A_274 = arith.constant 16 : i32
      %add3A_275 = vector.broadcast %add3A_274 : i32 to vector<16xi32>
      %add3A_276 = arith.addi %iota3A, %add3A_275 : vector<16xi32>
      %gt3A_277 = arith.constant 5.000000e-01 : f32
      %gt3A_278 = vector.broadcast %gt3A_277 : f32 to vector<16xf32>
      %gt3A_279 = arith.cmpf ogt, %get3A_159, %gt3A_278 : vector<16xf32>
      tpu.vector_store_idx %arg11[%convert_element_type3A_273], %add3A_276 masked %gt3A_279 : memref<64xi32, #tpu.memory_space<vmem>>[vector<16xi32>], vector<16xi32>, vector<16xi1>
      %sub3A_280 = arith.constant 1.000000e+00 : f32
      %sub3A_281 = vector.broadcast %sub3A_280 : f32 to vector<16xf32>
      %sub3A_282 = arith.subf %add3A_194, %sub3A_281 : vector<16xf32>
      %convert_element_type3A_283 = arith.fptosi %sub3A_282 : vector<16xf32> to vector<16xi32>
      %add3A_284 = arith.constant 32 : i32
      %add3A_285 = vector.broadcast %add3A_284 : i32 to vector<16xi32>
      %add3A_286 = arith.addi %iota3A, %add3A_285 : vector<16xi32>
      %gt3A_287 = arith.constant 5.000000e-01 : f32
      %gt3A_288 = vector.broadcast %gt3A_287 : f32 to vector<16xf32>
      %gt3A_289 = arith.cmpf ogt, %get3A_189, %gt3A_288 : vector<16xf32>
      tpu.vector_store_idx %arg11[%convert_element_type3A_283], %add3A_286 masked %gt3A_289 : memref<64xi32, #tpu.memory_space<vmem>>[vector<16xi32>], vector<16xi32>, vector<16xi1>
      %sub3A_290 = arith.constant 1.000000e+00 : f32
      %sub3A_291 = vector.broadcast %sub3A_290 : f32 to vector<16xf32>
      %sub3A_292 = arith.subf %add3A_224, %sub3A_291 : vector<16xf32>
      %convert_element_type3A_293 = arith.fptosi %sub3A_292 : vector<16xf32> to vector<16xi32>
      %add3A_294 = arith.constant 48 : i32
      %add3A_295 = vector.broadcast %add3A_294 : i32 to vector<16xi32>
      %add3A_296 = arith.addi %iota3A, %add3A_295 : vector<16xi32>
      %gt3A_297 = arith.constant 5.000000e-01 : f32
      %gt3A_298 = vector.broadcast %gt3A_297 : f32 to vector<16xf32>
      %gt3A_299 = arith.cmpf ogt, %get3A_219, %gt3A_298 : vector<16xf32>
      tpu.vector_store_idx %arg11[%convert_element_type3A_293], %add3A_296 masked %gt3A_299 : memref<64xi32, #tpu.memory_space<vmem>>[vector<16xi32>], vector<16xi32>, vector<16xi1>
      %broadcast_in_dim3A_300 = arith.constant 0 : i32
      %broadcast_in_dim3A_301 = vector.broadcast %broadcast_in_dim3A_300 : i32 to vector<16xi32>
      %convert_element_type3A_302 = arith.fptosi %add3A_229 : f32 to i32
      %add3A_303 = vector.broadcast %convert_element_type3A_302 : i32 to vector<16xi32>
      %add3A_304 = arith.addi %broadcast_in_dim3A_301, %add3A_303 : vector<16xi32>
      %swap3A_305 = arith.constant 0 : index
      %swap3A_306 = tpu.vector_load %arg12[%swap3A_305] {strides = array<i32>} : memref<16xi32, #tpu.memory_space<vmem>>, vector<16xi32>,
      tpu.vector_store %arg12[%swap3A_305], %add3A_304 {strides = array<i32>} : memref<16xi32, #tpu.memory_space<vmem>>, vector<16xi32>,
      "tpu.region"() ({
        %run_scoped3A = tpu.sem_alloc : memref<!tpu.dma_semaphore, #tpu.memory_space<semaphore_mem>>
        tpu.enqueue_dma source(%arg9 : memref<2x64xi32, #tpu.memory_space<vmem>>) target(%arg3 : memref<2x64xi32, #tpu.memory_space<hbm>>) target_semaphore(%run_scoped3A : memref<!tpu.dma_semaphore, #tpu.memory_space<semaphore_mem>>)
        tpu.wait_dma2 semaphore(%run_scoped3A : memref<!tpu.dma_semaphore, #tpu.memory_space<semaphore_mem>>) src(%arg9 : memref<2x64xi32, #tpu.memory_space<vmem>>) dst(%arg3 : memref<2x64xi32, #tpu.memory_space<hbm>>)
        tpu.yield
      }) : () -> ()
      "tpu.region"() ({
        %run_scoped3A = tpu.sem_alloc : memref<!tpu.dma_semaphore, #tpu.memory_space<semaphore_mem>>
        tpu.enqueue_dma source(%arg10 : memref<2x64xf32, #tpu.memory_space<vmem>>) target(%arg4 : memref<2x64xf32, #tpu.memory_space<hbm>>) target_semaphore(%run_scoped3A : memref<!tpu.dma_semaphore, #tpu.memory_space<semaphore_mem>>)
        tpu.wait_dma2 semaphore(%run_scoped3A : memref<!tpu.dma_semaphore, #tpu.memory_space<semaphore_mem>>) src(%arg10 : memref<2x64xf32, #tpu.memory_space<vmem>>) dst(%arg4 : memref<2x64xf32, #tpu.memory_space<hbm>>)
        tpu.yield
      }) : () -> ()
      "tpu.region"() ({
        %run_scoped3A = tpu.sem_alloc : memref<!tpu.dma_semaphore, #tpu.memory_space<semaphore_mem>>
        tpu.enqueue_dma source(%arg11 : memref<64xi32, #tpu.memory_space<vmem>>) target(%arg5 : memref<64xi32, #tpu.memory_space<hbm>>) target_semaphore(%run_scoped3A : memref<!tpu.dma_semaphore, #tpu.memory_space<semaphore_mem>>)
        tpu.wait_dma2 semaphore(%run_scoped3A : memref<!tpu.dma_semaphore, #tpu.memory_space<semaphore_mem>>) src(%arg11 : memref<64xi32, #tpu.memory_space<vmem>>) dst(%arg5 : memref<64xi32, #tpu.memory_space<hbm>>)
        tpu.yield
      }) : () -> ()
      "tpu.region"() ({
        %run_scoped3A = tpu.sem_alloc : memref<!tpu.dma_semaphore, #tpu.memory_space<semaphore_mem>>
        tpu.enqueue_dma source(%arg12 : memref<16xi32, #tpu.memory_space<vmem>>) target(%arg6 : memref<16xi32, #tpu.memory_space<hbm>>) target_semaphore(%run_scoped3A : memref<!tpu.dma_semaphore, #tpu.memory_space<semaphore_mem>>)
        tpu.wait_dma2 semaphore(%run_scoped3A : memref<!tpu.dma_semaphore, #tpu.memory_space<semaphore_mem>>) src(%arg12 : memref<16xi32, #tpu.memory_space<vmem>>) dst(%arg6 : memref<16xi32, #tpu.memory_space<hbm>>)
        tpu.yield
      }) : () -> ()
    } else {
    }
    return
  }
}

module attributes {stable_mosaic.version = 14 : i64} {
  func.func @_logits_kernel(%arg0: memref<64x1024xf32, #tpu.memory_space<vmem>>, %arg1: memref<1024x64xf32, #tpu.memory_space<vmem>>, %arg2: memref<64x1xf32, #tpu.memory_space<vmem>>, %arg3: memref<64x64xf32, #tpu.memory_space<vmem>>) attributes {dimension_semantics = [], scalar_prefetch = 0 : i64, scratch_operands = 0 : i64, tpu.core_type = #tpu.core_type<tc>} {
    %get3A = arith.constant 0 : index
    %get3A_0 = arith.constant 0 : index
    %get3A_1 = vector.load %arg1[%get3A, %get3A_0] : memref<1024x64xf32, #tpu.memory_space<vmem>>, vector<1024x64xf32>
    %get3A_2 = arith.constant 0 : index
    %get3A_3 = arith.constant 0 : index
    %get3A_4 = vector.load %arg0[%get3A_2, %get3A_3] : memref<64x1024xf32, #tpu.memory_space<vmem>>, vector<64x1024xf32>
    %dot_general3A = arith.constant dense<0.000000e+00> : vector<64x64xf32>
    %dot_general3A_5 = tpu.matmul %get3A_1, %get3A_4, %dot_general3A {dimension_numbers = #tpu.dot_dimension_numbers<[0], [1], [1], [0], [0, 1, 1, 0], [], []>, transpose_lhs_hint = false} : vector<1024x64xf32>, vector<64x1024xf32>, vector<64x64xf32> -> vector<64x64xf32>
    %get3A_6 = arith.constant 0 : index
    %get3A_7 = arith.constant 0 : index
    %get3A_8 = vector.load %arg2[%get3A_6, %get3A_7] : memref<64x1xf32, #tpu.memory_space<vmem>>, vector<64x1xf32>
    %add3A = vector.broadcast %get3A_8 : vector<64x1xf32> to vector<64x64xf32>
    %add3A_9 = arith.addf %dot_general3A_5, %add3A : vector<64x64xf32>
    %swap3A = arith.constant 0 : index
    %swap3A_10 = arith.constant 0 : index
    %swap3A_11 = vector.load %arg3[%swap3A, %swap3A_10] : memref<64x64xf32, #tpu.memory_space<vmem>>, vector<64x64xf32>
    tpu.vector_store %arg3[%swap3A, %swap3A_10], %add3A_9 {strides = array<i32>} : memref<64x64xf32, #tpu.memory_space<vmem>>, vector<64x64xf32>,
    return
  }
}

module attributes {stable_mosaic.version = 14 : i64} {
  func.func @_expert_kernel(%arg0: i32, %arg1: memref<64xi32, #tpu.memory_space<smem>>, %arg2: memref<16xi32, #tpu.memory_space<smem>>, %arg3: memref<64x1024xf32, #tpu.memory_space<vmem>>, %arg4: memref<1x1024x512xf32, #tpu.memory_space<vmem>>, %arg5: memref<64x512xf32, #tpu.memory_space<vmem>>, %arg6: memref<1x512x512xf32, #tpu.memory_space<vmem>>, %arg7: memref<64x512xf32, #tpu.memory_space<vmem>>, %arg8: memref<1x512x1024xf32, #tpu.memory_space<vmem>>, %arg9: memref<64x1024xf32, #tpu.memory_space<vmem>>, %arg10: memref<2x64xi32, #tpu.memory_space<vmem>>, %arg11: memref<2x64xf32, #tpu.memory_space<vmem>>, %arg12: memref<64x1024xf32, #tpu.memory_space<vmem>>) attributes {dimension_semantics = [#tpu.dimension_semantics<arbitrary>], iteration_bounds = array<i64: 64>, scalar_prefetch = 2 : i64, scratch_operands = 0 : i64, tpu.core_type = #tpu.core_type<tc>, window_params = [{pipeline_mode = #tpu.pipeline_mode<synchronous>, transform_indices = @transform_0, window_bounds = array<i64: 64, 1024>}, {transform_indices = @transform_1, window_bounds = array<i64: 1, 1024, 512>}, {pipeline_mode = #tpu.pipeline_mode<synchronous>, transform_indices = @transform_2, window_bounds = array<i64: 64, 512>}, {transform_indices = @transform_3, window_bounds = array<i64: 1, 512, 512>}, {pipeline_mode = #tpu.pipeline_mode<synchronous>, transform_indices = @transform_4, window_bounds = array<i64: 64, 512>}, {transform_indices = @transform_5, window_bounds = array<i64: 1, 512, 1024>}, {pipeline_mode = #tpu.pipeline_mode<synchronous>, transform_indices = @transform_6, window_bounds = array<i64: 64, 1024>}, {pipeline_mode = #tpu.pipeline_mode<synchronous>, transform_indices = @transform_7, window_bounds = array<i64: 2, 64>}, {pipeline_mode = #tpu.pipeline_mode<synchronous>, transform_indices = @transform_8, window_bounds = array<i64: 2, 64>}, {pipeline_mode = #tpu.pipeline_mode<synchronous>, transform_indices = @transform_9, window_bounds = array<i64: 64, 1024>}]} {
    %eq3A = arith.constant 0 : i32
    %eq3A_0 = arith.cmpi eq, %arg0, %eq3A : i32
    %convert_element_type3A = arith.extui %eq3A_0 : i1 to i32
    %cond3A = arith.constant 0 : i32
    %cond3A_1 = arith.cmpi ne, %convert_element_type3A, %cond3A : i32
    scf.if %cond3A_1 {
      %broadcast_in_dim3A = arith.constant 0.000000e+00 : f32
      %broadcast_in_dim3A_6 = vector.broadcast %broadcast_in_dim3A : f32 to vector<64x1024xf32>
      %swap3A = arith.constant 0 : index
      %swap3A_7 = arith.constant 0 : index
      %swap3A_8 = vector.load %arg12[%swap3A, %swap3A_7] : memref<64x1024xf32, #tpu.memory_space<vmem>>, vector<64x1024xf32>
      tpu.vector_store %arg12[%swap3A, %swap3A_7], %broadcast_in_dim3A_6 {strides = array<i32>} : memref<64x1024xf32, #tpu.memory_space<vmem>>, vector<64x1024xf32>,
    } else {
    }
    %get3A = arith.constant 0 : index
    %get3A_2 = memref.load %arg2[%get3A] : memref<16xi32, #tpu.memory_space<smem>>
    %lt3A = arith.cmpi slt, %arg0, %get3A_2 : i32
    %convert_element_type3A_3 = arith.extui %lt3A : i1 to i32
    %cond3A_4 = arith.constant 0 : i32
    %cond3A_5 = arith.cmpi ne, %convert_element_type3A_3, %cond3A_4 : i32
    scf.if %cond3A_5 {
      %get3A_6 = arith.index_cast %arg0 : i32 to index
      %get3A_7 = memref.load %arg1[%get3A_6] : memref<64xi32, #tpu.memory_space<smem>>
      %get3A_8 = arith.constant 0 : index
      %get3A_9 = arith.constant 0 : index
      %get3A_10 = vector.load %arg3[%get3A_8, %get3A_9] : memref<64x1024xf32, #tpu.memory_space<vmem>>, vector<64x1024xf32>
      %get3A_11 = arith.constant 0 : index
      %get3A_12 = arith.constant 0 : index
      %get3A_13 = arith.constant 0 : index
      %get3A_14 = vector.load %arg4[%get3A_11, %get3A_12, %get3A_13] : memref<1x1024x512xf32, #tpu.memory_space<vmem>>, vector<1x1024x512xf32>
      %get3A_15 = vector.shape_cast %get3A_14 : vector<1x1024x512xf32> to vector<1024x512xf32>
      %dot_general3A = arith.constant dense<0.000000e+00> : vector<64x512xf32>
      %dot_general3A_16 = tpu.matmul %get3A_10, %get3A_15, %dot_general3A {dimension_numbers = #tpu.dot_dimension_numbers<[1], [0], [0], [1], [0, 0, 1, 1], [], []>, transpose_lhs_hint = false} : vector<64x1024xf32>, vector<1024x512xf32>, vector<64x512xf32> -> vector<64x512xf32>
      %get3A_17 = arith.index_cast %get3A_7 : i32 to index
      %get3A_18 = arith.constant 0 : index
      %get3A_19 = vector.load %arg5[%get3A_17, %get3A_18] : memref<64x512xf32, #tpu.memory_space<vmem>>, vector<1x512xf32>
      %add3A = vector.broadcast %get3A_19 : vector<1x512xf32> to vector<64x512xf32>
      %add3A_20 = arith.addf %dot_general3A_16, %add3A : vector<64x512xf32>
      %get3A_21 = arith.constant 0 : index
      %get3A_22 = arith.constant 0 : index
      %get3A_23 = arith.constant 0 : index
      %get3A_24 = vector.load %arg6[%get3A_21, %get3A_22, %get3A_23] : memref<1x512x512xf32, #tpu.memory_space<vmem>>, vector<1x512x512xf32>
      %get3A_25 = vector.shape_cast %get3A_24 : vector<1x512x512xf32> to vector<512x512xf32>
      %dot_general3A_26 = arith.constant dense<0.000000e+00> : vector<64x512xf32>
      %dot_general3A_27 = tpu.matmul %add3A_20, %get3A_25, %dot_general3A_26 {dimension_numbers = #tpu.dot_dimension_numbers<[1], [0], [0], [1], [0, 0, 1, 1], [], []>, transpose_lhs_hint = false} : vector<64x512xf32>, vector<512x512xf32>, vector<64x512xf32> -> vector<64x512xf32>
      %get3A_28 = arith.index_cast %get3A_7 : i32 to index
      %get3A_29 = arith.constant 0 : index
      %get3A_30 = vector.load %arg7[%get3A_28, %get3A_29] : memref<64x512xf32, #tpu.memory_space<vmem>>, vector<1x512xf32>
      %add3A_31 = vector.broadcast %get3A_30 : vector<1x512xf32> to vector<64x512xf32>
      %add3A_32 = arith.addf %dot_general3A_27, %add3A_31 : vector<64x512xf32>
      %neg3A = arith.constant 0.000000e+00 : f32
      %neg3A_33 = vector.broadcast %neg3A : f32 to vector<64x512xf32>
      %neg3A_34 = arith.subf %neg3A_33, %add3A_32 : vector<64x512xf32>
      %exp3A = math.exp %neg3A_34 : vector<64x512xf32>
      %add3A_35 = arith.constant 1.000000e+00 : f32
      %add3A_36 = vector.broadcast %add3A_35 : f32 to vector<64x512xf32>
      %add3A_37 = arith.addf %add3A_36, %exp3A : vector<64x512xf32>
      %div3A = arith.constant 1.000000e+00 : f32
      %div3A_38 = vector.broadcast %div3A : f32 to vector<64x512xf32>
      %div3A_39 = arith.divf %div3A_38, %add3A_37 : vector<64x512xf32>
      %mul3A = arith.mulf %add3A_32, %div3A_39 : vector<64x512xf32>
      %get3A_40 = arith.constant 0 : index
      %get3A_41 = arith.constant 0 : index
      %get3A_42 = arith.constant 0 : index
      %get3A_43 = vector.load %arg8[%get3A_40, %get3A_41, %get3A_42] : memref<1x512x1024xf32, #tpu.memory_space<vmem>>, vector<1x512x1024xf32>
      %get3A_44 = vector.shape_cast %get3A_43 : vector<1x512x1024xf32> to vector<512x1024xf32>
      %dot_general3A_45 = arith.constant dense<0.000000e+00> : vector<64x1024xf32>
      %dot_general3A_46 = tpu.matmul %mul3A, %get3A_44, %dot_general3A_45 {dimension_numbers = #tpu.dot_dimension_numbers<[1], [0], [0], [1], [0, 0, 1, 1], [], []>, transpose_lhs_hint = false} : vector<64x512xf32>, vector<512x1024xf32>, vector<64x1024xf32> -> vector<64x1024xf32>
      %get3A_47 = arith.index_cast %get3A_7 : i32 to index
      %get3A_48 = arith.constant 0 : index
      %get3A_49 = vector.load %arg9[%get3A_47, %get3A_48] : memref<64x1024xf32, #tpu.memory_space<vmem>>, vector<1x1024xf32>
      %add3A_50 = vector.broadcast %get3A_49 : vector<1x1024xf32> to vector<64x1024xf32>
      %add3A_51 = arith.addf %dot_general3A_46, %add3A_50 : vector<64x1024xf32>
      %get3A_52 = arith.constant 0 : index
      %get3A_53 = arith.constant 0 : index
      %get3A_54 = vector.load %arg10[%get3A_52, %get3A_53] : memref<2x64xi32, #tpu.memory_space<vmem>>, vector<1x64xi32>
      %eq3A_55 = vector.broadcast %get3A_7 : i32 to vector<1x64xi32>
      %eq3A_56 = arith.cmpi eq, %get3A_54, %eq3A_55 : vector<1x64xi32>
      %get3A_57 = arith.constant 0 : index
      %get3A_58 = arith.constant 0 : index
      %get3A_59 = vector.load %arg11[%get3A_57, %get3A_58] : memref<2x64xf32, #tpu.memory_space<vmem>>, vector<1x64xf32>
      %jit3A = arith.constant 0.000000e+00 : f32
      %broadcast_in_dim3A = vector.broadcast %jit3A : f32 to vector<1x64xf32>
      %select_n3A = arith.select %eq3A_56, %get3A_59, %broadcast_in_dim3A : vector<1x64xi1>, vector<1x64xf32>
      %get3A_60 = arith.constant 1 : index
      %get3A_61 = arith.constant 0 : index
      %get3A_62 = vector.load %arg10[%get3A_60, %get3A_61] : memref<2x64xi32, #tpu.memory_space<vmem>>, vector<1x64xi32>
      %eq3A_63 = vector.broadcast %get3A_7 : i32 to vector<1x64xi32>
      %eq3A_64 = arith.cmpi eq, %get3A_62, %eq3A_63 : vector<1x64xi32>
      %get3A_65 = arith.constant 1 : index
      %get3A_66 = arith.constant 0 : index
      %get3A_67 = vector.load %arg11[%get3A_65, %get3A_66] : memref<2x64xf32, #tpu.memory_space<vmem>>, vector<1x64xf32>
      %jit3A_68 = arith.constant 0.000000e+00 : f32
      %broadcast_in_dim3A_69 = vector.broadcast %jit3A_68 : f32 to vector<1x64xf32>
      %select_n3A_70 = arith.select %eq3A_64, %get3A_67, %broadcast_in_dim3A_69 : vector<1x64xi1>, vector<1x64xf32>
      %add3A_71 = arith.addf %select_n3A, %select_n3A_70 : vector<1x64xf32>
      %iota3A = tpu.iota {dimensions = array<i32: 0>} : vector<64x64xi32>
      %iota3A_72 = tpu.iota {dimensions = array<i32: 1>} : vector<64x64xi32>
      %eq3A_73 = arith.cmpi eq, %iota3A, %iota3A_72 : vector<64x64xi32>
      %jit3A_74 = arith.constant 0.000000e+00 : f32
      %broadcast_in_dim3A_75 = vector.shape_cast %add3A_71 : vector<1x64xf32> to vector<1x64xf32>
      %broadcast_in_dim3A_76 = vector.broadcast %broadcast_in_dim3A_75 : vector<1x64xf32> to vector<64x64xf32>
      %broadcast_in_dim3A_77 = vector.broadcast %jit3A_74 : f32 to vector<64x64xf32>
      %select_n3A_78 = arith.select %eq3A_73, %broadcast_in_dim3A_76, %broadcast_in_dim3A_77 : vector<64x64xi1>, vector<64x64xf32>
      %get3A_79 = arith.constant 0 : index
      %get3A_80 = arith.constant 0 : index
      %get3A_81 = vector.load %arg12[%get3A_79, %get3A_80] : memref<64x1024xf32, #tpu.memory_space<vmem>>, vector<64x1024xf32>
      %dot_general3A_82 = arith.constant dense<0.000000e+00> : vector<64x1024xf32>
      %dot_general3A_83 = tpu.matmul %select_n3A_78, %add3A_51, %dot_general3A_82 {dimension_numbers = #tpu.dot_dimension_numbers<[1], [0], [0], [1], [0, 0, 1, 1], [], []>, transpose_lhs_hint = false} : vector<64x64xf32>, vector<64x1024xf32>, vector<64x1024xf32> -> vector<64x1024xf32>
      %add3A_84 = arith.addf %get3A_81, %dot_general3A_83 : vector<64x1024xf32>
      %swap3A = arith.constant 0 : index
      %swap3A_85 = arith.constant 0 : index
      %swap3A_86 = vector.load %arg12[%swap3A, %swap3A_85] : memref<64x1024xf32, #tpu.memory_space<vmem>>, vector<64x1024xf32>
      tpu.vector_store %arg12[%swap3A, %swap3A_85], %add3A_84 {strides = array<i32>} : memref<64x1024xf32, #tpu.memory_space<vmem>>, vector<64x1024xf32>,
    } else {
    }
    return
  }
  func.func @transform_0(%arg0: i32, %arg1: memref<64xi32, #tpu.memory_space<smem>>, %arg2: memref<16xi32, #tpu.memory_space<smem>>) -> (i32, i32) {
    %c0_i32 = arith.constant 0 : i32
    %c0_i32_0 = arith.constant 0 : i32
    %c0_i32_1 = arith.constant 0 : i32
    return %c0_i32, %c0_i32_0 : i32, i32
  }
  func.func @transform_1(%arg0: i32, %arg1: memref<64xi32, #tpu.memory_space<smem>>, %arg2: memref<16xi32, #tpu.memory_space<smem>>) -> (i32, i32, i32) {
    %get3A = arith.index_cast %arg0 : i32 to index
    %get3A_0 = memref.load %arg1[%get3A] : memref<64xi32, #tpu.memory_space<smem>>
    %c0_i32 = arith.constant 0 : i32
    %c0_i32_1 = arith.constant 0 : i32
    %c0_i32_2 = arith.constant 0 : i32
    return %get3A_0, %c0_i32, %c0_i32_1 : i32, i32, i32
  }
  func.func @transform_2(%arg0: i32, %arg1: memref<64xi32, #tpu.memory_space<smem>>, %arg2: memref<16xi32, #tpu.memory_space<smem>>) -> (i32, i32) {
    %c0_i32 = arith.constant 0 : i32
    %c0_i32_0 = arith.constant 0 : i32
    %c0_i32_1 = arith.constant 0 : i32
    return %c0_i32, %c0_i32_0 : i32, i32
  }
  func.func @transform_3(%arg0: i32, %arg1: memref<64xi32, #tpu.memory_space<smem>>, %arg2: memref<16xi32, #tpu.memory_space<smem>>) -> (i32, i32, i32) {
    %get3A = arith.index_cast %arg0 : i32 to index
    %get3A_0 = memref.load %arg1[%get3A] : memref<64xi32, #tpu.memory_space<smem>>
    %c0_i32 = arith.constant 0 : i32
    %c0_i32_1 = arith.constant 0 : i32
    %c0_i32_2 = arith.constant 0 : i32
    return %get3A_0, %c0_i32, %c0_i32_1 : i32, i32, i32
  }
  func.func @transform_4(%arg0: i32, %arg1: memref<64xi32, #tpu.memory_space<smem>>, %arg2: memref<16xi32, #tpu.memory_space<smem>>) -> (i32, i32) {
    %c0_i32 = arith.constant 0 : i32
    %c0_i32_0 = arith.constant 0 : i32
    %c0_i32_1 = arith.constant 0 : i32
    return %c0_i32, %c0_i32_0 : i32, i32
  }
  func.func @transform_5(%arg0: i32, %arg1: memref<64xi32, #tpu.memory_space<smem>>, %arg2: memref<16xi32, #tpu.memory_space<smem>>) -> (i32, i32, i32) {
    %get3A = arith.index_cast %arg0 : i32 to index
    %get3A_0 = memref.load %arg1[%get3A] : memref<64xi32, #tpu.memory_space<smem>>
    %c0_i32 = arith.constant 0 : i32
    %c0_i32_1 = arith.constant 0 : i32
    %c0_i32_2 = arith.constant 0 : i32
    return %get3A_0, %c0_i32, %c0_i32_1 : i32, i32, i32
  }
  func.func @transform_6(%arg0: i32, %arg1: memref<64xi32, #tpu.memory_space<smem>>, %arg2: memref<16xi32, #tpu.memory_space<smem>>) -> (i32, i32) {
    %c0_i32 = arith.constant 0 : i32
    %c0_i32_0 = arith.constant 0 : i32
    %c0_i32_1 = arith.constant 0 : i32
    return %c0_i32, %c0_i32_0 : i32, i32
  }
  func.func @transform_7(%arg0: i32, %arg1: memref<64xi32, #tpu.memory_space<smem>>, %arg2: memref<16xi32, #tpu.memory_space<smem>>) -> (i32, i32) {
    %c0_i32 = arith.constant 0 : i32
    %c0_i32_0 = arith.constant 0 : i32
    %c0_i32_1 = arith.constant 0 : i32
    return %c0_i32, %c0_i32_0 : i32, i32
  }
  func.func @transform_8(%arg0: i32, %arg1: memref<64xi32, #tpu.memory_space<smem>>, %arg2: memref<16xi32, #tpu.memory_space<smem>>) -> (i32, i32) {
    %c0_i32 = arith.constant 0 : i32
    %c0_i32_0 = arith.constant 0 : i32
    %c0_i32_1 = arith.constant 0 : i32
    return %c0_i32, %c0_i32_0 : i32, i32
  }
  func.func @transform_9(%arg0: i32, %arg1: memref<64xi32, #tpu.memory_space<smem>>, %arg2: memref<16xi32, #tpu.memory_space<smem>>) -> (i32, i32) {
    %c0_i32 = arith.constant 0 : i32
    %c0_i32_0 = arith.constant 0 : i32
    %c0_i32_1 = arith.constant 0 : i32
    return %c0_i32, %c0_i32_0 : i32, i32
  }
}

</mosaic_0001>

<sc_bundles>
// kernel: kernel.5.cloned.1.call-start
scs
__scs_entry_jumppad:
0x0: {  	(pc) =	sbr.rel $0x88, $3  }
0x1: {  	(tag) =	ssettag $0x0;
	lr =	simm.s32 $0x1  }
0x2: {  	[smem:$0x3F98] =	sst lr;
	_ =	strace $0xD0000000  }
0x3: {  	_ = 	snop  }
0x4: {  	_ = 	snop  }
0x5: {  	_ = 	snop  }
0x6: {  	_ = 	snop  }
0x7: {  	_ = 	snop  }
__scs_overlays_trampoline_lowered:
0x8: {  	[smem:$0x3FA7] =	sst s0  }
0x9: {  	[smem:$0x3FA8] =	sst s1  }
0xa: {  	[smem:$0x3FA9] =	sst s2  }
0xb: {  	[smem:$0x3FAA] =	sst s3  }
0xc: {  	[smem:$0x3FAB] =	sst s4  }
0xd: {  	[smem:$0x3FAC] =	sst s5  }
0xe: {  	[smem:$0x3FAD] =	sst s6  }
0xf: {  	[smem:$0x3FAE] =	sst s7  }
0x10: {  	[smem:$0x3FAF] =	sst s8  }
0x11: {  	[smem:$0x3FB0] =	sst s9;
	s0 =	simm.s32 @!p0 $0x0  }
0x12: {  	s1 =	sld [smem:$0x3F96];
	s0 =	simm.s32 @p0 $0x1  }
0x13: {  	[smem:$0x3FB1] =	sst s0;
	s0 =	simm.s32 @!p1 $0x0  }
0x14: {  	s2 =	sld [smem:$0x3F95];
	s0 =	simm.s32 @p1 $0x1  }
0x15: {  	[smem:$0x3FB2] =	sst s0;
	s0 =	simm.s32 @!p2 $0x0  }
0x16: {  	s3 =	sld [smem:$0x3FDB];
	s0 =	simm.s32 @p2 $0x1  }
0x17: {  	s4 =	simm.s32 $0x1BF5;
	[smem:$0x3FB4] =	sst s0  }
0x18: {  	s0 =	sld [smem:$0x3F97];
	_ =	swait.ge [sflag:s4], $0x0  }
0x19: {  	s7 =	sld [smem:$0x3F98]  }
0x1a: {  	s8 =	sadd.s32 $0xFFFFE003, lr  }
0x1b: {  	s9 =	sadd.s32 $0xFFFFFEF7, lr;
	s5 =	simm.s32 $0xFFFFFFFF;
	p2 =	slt.u32 s8, $0xFFFFF086  }
0x1c: {  	p1 =	slt.u32 s9, $0xF7A;
	s5 =	simm.s32 @!p2 $0x0  }
0x1d: {  	s5 =	simm.s32 @p1 $0x1;
	p0 =	seq.s32 s7, s2  }
0x1e: {  	s7 =	smul.u32 @!p0 $0xF7A, s2;
	p2 =	seq.s32 @!p0 s5, $0x0  }
0x1f: {  	s9 =	smul.u32 $0xF7A, s1;
	s8 =	simm.s32 @!p0 $0x1BF5;
	p2 =	por !p2, p0  }
0x20: {  	[sflag:s8] =	ssyncset.s32 @!p0 $0xFFFFF086;
	s6 =	sadd.s32 @!p0 s3, s7;
	s7 =	simm.s32 @!p0 $0x108  }
0x21: {  	s3 =	sadd.s32 s3, s9;
	s6 =	sadd.s32 @!p0 $0x88, s6;
	s7 =	simm.s32 @p2 $0x1082  }
0x22: {  	[simem:s7], [sflag:s8] =	dma.local @!p0 [hbm:s6], $0xF7A  }
0x23: {  	s9 =	sor.u32 $0xD0000000, s2;
	s6 =	simm.s32 $0x108;
	_ =	swait.ge @!p0 [sflag:s8], $0x0  }
0x24: {  	s3 =	sadd.s32 $0x88, s3;
	s6 =	simm.s32 @!p1 $0x1082;
	[sflag:s4] =	ssyncset.s32 $0xFFFFF086  }
0x25: {  	[simem:s6], [sflag:s4] =	dma.local [hbm:s3], $0xF7A  }
0x26: {  	[smem:$0x3F98] =	sst s1;
	(tag) =	ssettag s2;
	_ =	strace s9  }
0x27: {  	s1 =	sld [smem:$0x3FA8]  }
0x28: {  	s2 =	sld [smem:$0x3FA9]  }
0x29: {  	s4 =	sld [smem:$0x3FAB]  }
0x2a: {  	p0 =	seq.s32 s5, $0x0;
	s5 =	sld [smem:$0x3FAC]  }
0x2b: {  	s6 =	sld [smem:$0x3FAD]  }
0x2c: {  	s7 =	sld [smem:$0x3FAE]  }
0x2d: {  	s3 =	simm.s32 $0x108;
	s8 =	sld [smem:$0x3FAF]  }
0x2e: {  	s3 =	simm.s32 @!p0 $0x1082;
	s9 =	sld [smem:$0x3FB0]  }
0x2f: {  	lr =	sadd.s32 s0, s3;
	s0 =	sld [smem:$0x3FA7]  }
0x30: {  	s3 =	sld [smem:$0x3FAA]  }
0x31: {  	[smem:$0x3FB3] =	sst s10  }
0x32: {  	s10 =	sld [smem:$0x3FB1];
	_ =	sdelay $0x3  }
0x33: {  	p0 =	seq.s32 s10, $0x1;
	s10 =	sld [smem:$0x3FB3];
	_ =	sdelay $0x3  }
0x34: {  	[smem:$0x3FB3] =	sst s10  }
0x35: {  	s10 =	sld [smem:$0x3FB2];
	_ =	sdelay $0x3  }
0x36: {  	p1 =	seq.s32 s10, $0x1;
	s10 =	sld [smem:$0x3FB3];
	_ =	sdelay $0x3  }
0x37: {  	[smem:$0x3FB3] =	sst s10  }
0x38: {  	s10 =	sld [smem:$0x3FB4]  }
0x39: {  	_ = 	snop;
	(pc) =	sbr.ind lr, $3  }
0x3a: {  	_ = 	snop  }
0x3b: {  	_ = 	snop  }
0x3c: {  	p2 =	seq.s32 s10, $0x1;
	s10 =	sld [smem:$0x3FB3]  }
0x3d: {  	_ =	shalt  }
0x3e: {  	_ =	shalt  }
0x3f: {  	_ =	shalt  }
0x40: {  	_ =	shalt  }
0x41: {  	_ =	shalt  }
0x42: {  	_ =	shalt  }
0x43: {  	_ =	shalt  }
0x44: {  	_ =	shalt  }
0x45: {  	_ =	shalt  }
0x46: {  	_ =	shalt  }
0x47: {  	_ =	shalt  }
0x48: {  	_ =	shalt  }
0x49: {  	_ =	shalt  }
0x4a: {  	_ =	shalt  }
0x4b: {  	_ =	shalt  }
0x4c: {  	_ =	shalt  }
0x4d: {  	_ =	shalt  }
0x4e: {  	_ =	shalt  }
0x4f: {  	_ =	shalt  }
0x50: {  	_ =	shalt  }
0x51: {  	_ =	shalt  }
0x52: {  	_ =	shalt  }
0x53: {  	_ =	shalt  }
0x54: {  	_ =	shalt  }
0x55: {  	_ =	shalt  }
0x56: {  	_ =	shalt  }
0x57: {  	_ =	shalt  }
0x58: {  	_ =	shalt  }
0x59: {  	_ =	shalt  }
0x5a: {  	_ =	shalt  }
0x5b: {  	_ =	shalt  }
0x5c: {  	_ =	shalt  }
0x5d: {  	_ =	shalt  }
0x5e: {  	_ =	shalt  }
0x5f: {  	_ =	shalt  }
0x60: {  	_ =	shalt  }
0x61: {  	_ =	shalt  }
0x62: {  	_ =	shalt  }
0x63: {  	_ =	shalt  }
0x64: {  	_ =	shalt  }
0x65: {  	_ =	shalt  }
0x66: {  	_ =	shalt  }
0x67: {  	_ =	shalt  }
0x68: {  	_ =	shalt  }
0x69: {  	_ =	shalt  }
0x6a: {  	_ =	shalt  }
0x6b: {  	_ =	shalt  }
0x6c: {  	_ =	shalt  }
0x6d: {  	_ =	shalt  }
0x6e: {  	_ =	shalt  }
0x6f: {  	_ =	shalt  }
0x70: {  	_ =	shalt  }
0x71: {  	_ =	shalt  }
0x72: {  	_ =	shalt  }
0x73: {  	_ =	shalt  }
0x74: {  	_ =	shalt  }
0x75: {  	_ =	shalt  }
0x76: {  	_ =	shalt  }
0x77: {  	_ =	shalt  }
0x78: {  	_ =	shalt  }
0x79: {  	_ =	shalt  }
0x7a: {  	_ =	shalt  }
0x7b: {  	_ =	shalt  }
0x7c: {  	_ =	shalt  }
0x7d: {  	_ =	shalt  }
0x7e: {  	_ =	shalt  }
0x7f: {  	_ =	shalt  }
0x80: {  	_ =	shalt  }
0x81: {  	_ =	shalt  }
0x82: {  	_ =	shalt  }
0x83: {  	_ =	shalt  }
0x84: {  	_ =	shalt  }
0x85: {  	_ =	shalt  }
0x86: {  	_ =	shalt  }
0x87: {  	_ =	shalt  }
.Lfunc_end0:
.L_simem_size_0:
called_computation_lowered:
.L_overlay_start_0:
0x88: {  	s0 =	sld [smem:$0x3FD9]  }
0x89: {  	s1 =	sld [smem:$0x3FFE];
	_ =	sdelay $0x3  }
0x8a: {  	s0 =	sadd.s32 s1, s0  }
0x8b: {  	[smem:$0x3FBF] =	sst s0  }
0x8c: {  	_ = 	snop  }
0x8d: {  	s0 =	sld [smem:$0x3FD0];
	(tm) =	ssettm $0x1  }
0x8e: {  	s16 =	sld [smem:$0x3FFB];
	_ =	sdelay $0x3  }
0x8f: {  	_ =	strace s16  }
0x90: {  	s1 =	sld [smem:$0x3FFC];
	_ =	sdelay $0x3  }
0x91: {  	_ =	strace s1  }
0x92: {  	s1 =	sld [smem:$0x3FFD];
	_ =	sdelay $0x3  }
0x93: {  	_ =	strace s1  }
0x94: {  	_ =	strace $0x8FFFFFFF  }
0x95: {  	s17 =	sld [smem:$0x3FDB];
	_ =	sdelay $0x1  }
0x96: {  	s2 =	simm.s32 $_scs_section_size  }
0x97: {  	s3 =	simm.s32 $_size__tile_overlayer_lowered;
	s4 =	simm.s32 $_tile_overlayer_lowered  }
0x98: {  	s20 =	simm.s32 $0x1BFF;
	s19 =	sshll.u32 s4, $0x1;
	s1 =	sadd.s32 s2, s17  }
0x99: {  	s5 =	simm.s32 $0x0;
	s18 =	sshll.u32 s3, $0x1;
	s3 =	sadd.s32 s19, s1  }
0x9a: {  	[timem:s5], [sflag:s20] =	dma.local [hbm:s3], s18  }
0x9b: {  	_ =	swait.ge [sflag:s20], s18  }
0x9c: {  	s2 =	ssub.s32 $0x0, s18;
	[sflag:s20] =	ssyncset.done $0x0  }
0x9d: {  	[sflag:s20] =	ssyncadd.s32 s2;
	_ =	sdelay $0x1  }
0x9e: {  	s21 =	simm.s32 $0x1B8B  }
0x9f: {  	_ =	swait.ge [sflag:s21], $0x1  }
0xa0: {  	[sflag:s21] =	ssyncset.done $0x0  }
0xa1: {  	s23 =	simm.s32 $0x1B8E;
	s22 =	sld [smem:$0x3FFE];
	[sflag:s21] =	ssyncadd.s32 $0xFFFFFFFF  }
0xa2: {  	s24 =	simm.s32 $execute0_lowered;
	[smem:$0x3FD2] =	sst s23  }
0xa3: {  	s3 =	sshll.u32 s24, $0x1;
	_ =	strace $0x80000046;
	[dreg:$0x1] =	wrdreg $0xFFFFFFFF  }
0xa4: {  	s25 =	simm.s32 $_size_execute0_lowered;
	s1 =	sadd.s32 s1, s3;
	[dreg:$0x0] =	wrdreg $0x0  }
0xa5: {  	s3 =	sshll.u32 s25, $0x1;
	[dreg:$0x2] =	wrdreg s1  }
0xa6: {  	[dreg:$0x3] =	wrdreg s3  }
0xa7: {  	[dreg:$0x4] =	wrdreg $0xC0  }
0xa8: {  	_ =	task [dreg:s5], $0x5FFFF  }
0xa9: {  	[dreg:$0x1] =	wrdreg $0xFFFFFFFF  }
0xaa: {  	[dreg:$0x0] =	wrdreg $0x60  }
0xab: {  	[dreg:$0x2] =	wrdreg s0  }
0xac: {  	[dreg:$0x3] =	wrdreg s22  }
0xad: {  	[dreg:$0x4] =	wrdreg $0x9  }
0xae: {  	_ =	task.clear_ibuf [dreg:s5], $0x5FFFF;
	_ =	strace $0x90000046  }
0xaf: {  	s26 =	simm.s32 $0x9;
	_ =	strace $0x80000048  }
0xb0: {  	_ =	swait.ge [sflag:s26], $0x1  }
0xb1: {  	[sflag:s26] =	ssyncadd.s32 $0xFFFFFFFF  }
0xb2: {  	_ =	strace $0x90000048  }
0xb3: {  	_ =	sfence  }
0xb4: {  	s28 =	sld [smem:$0x0];
	_ =	sdelay $0x1  }
0xb5: {  	s29 =	srdreg.scid  }
0xb6: {  	s30 =	sshll.u32 s29, $0xD;
	s31 =	sshrl.u32 s29, $0x2  }
0xb7: {  	s2 =	sand.u32 $0x4000, s30;
	s1 =	sand.u32 $0x1, s29;
	s0 =	sadd.s32 s31, s28  }
0xb8: {  	s1 =	sor.u32 s2, s1;
	s0 =	sshll.u32 s0, $0x11  }
0xb9: {  	s0 =	sor.u32 s0, s1  }
0xba: {  	s0 =	sadd.s32 $0x8F2B, s0  }
0xbb: {  	[sflag:s0] =	ssyncadd.remote.s32 $0x1  }
0xbc: {  	_ =	sfence.sel $0xFFFF  }
0xbd: {  	[dreg:$0x0] =	wrdreg $0xFFFFFFFF;
	(pc) =	sbr.abs _section_cstart, $3  }
0xbe: {  	[dreg:$0x1] =	wrdreg $0xFFFFFFFF  }
0xbf: {  	_ =	task.clear_ibuf [dreg:s5], $0x2FFFF;
	_ =	strace $0x9FFFFFFF  }
0xc0: {  	(tm) =	ssettm $0x7FFFFFFF  }
0xc1: {  	_ =	shalt  }
tec
execute0_lowered:
.L_overlay_start_1:
0x0: {  	(tag) =	ssettag $0x1  }
0x1: {  	s1 =	rddreg [dreg:$0x0]  }
0x2: {  	s2 =	rddreg [dreg:$0x1];
	s3 =	stileid.u32  }
0x3: {  	s0 =	rddreg [dreg:$0x2];
	_ =	strace $0x80000047;
	p0 =	sne.s32 s3, $0x0  }
0x4: {  	_ =	sfence.sel @p0 $0x180000  }
0x5: {  	[bflag:$0x0] =	sbarrier.arrive @p0 $0xFFFF  }
0x6: {  	_ =	strace @p0 $0x90000047  }
0x7: {  	[bflag:$0x2] =	sbarrier.arrive @p0 $0xFFFF  }
0x8: {  	_ =	shalt @p0  }
.LBB2_1:
0x9: {  	s5 =	simm.s32 $0x0;
	s30 =	simm.s32 $0x1  }
0xa: {  	[tilespmem:s5], [sflag:$0x1] =	stream.linear.gather [hbm4b:s1+s5], $0x2000, $0x38;
	[tilespmem:$0x2380] =	vst v63  }
0xb: {  	_ =	swait.ge [sflag:s30], $0x2000  }
0xc: {  	[sflag:s30] =	ssyncset.done $0x0  }
0xd: {  	s31 =	simm.s32 $0x20;
	[sflag:s30] =	ssyncadd.s32 $0xFFFFE000  }
0xe: {  	v0 =	vld [tilespmem:s31+$0xFFFFFFE0]  }
0xf: {  	v2 =	vld [tilespmem:s31+$0xFFFFFFF0]  }
0x10: {  	v3 =	vld [tilespmem:s31+$0x0]  }
0x11: {  	v4 =	vld [tilespmem:s31+$0x10];
	_ =	sdelay $0x2  }
0x12: {  	v6 =	vimm.f32 $-Inf  }
0x13: {  	v1 =	vimm.s32 $0x0;
	vm2 =	vgt.f32 v0, v6  }
0x14: {  	vm1 =	vgt.f32 v2, v6;
	vm0 =	vgt.f32 v3, v6;
	vm3 =	vgt.f32 v4, v6  }
0x15: {  	s7 =	simm.s32 $0xA0;
	v11 =	vsel vm2, v0, v6;
	v7 =	vsel vm2, s5, v1;
	v10 =	vsel vm1, v2, v6  }
0x16: {  	v19 =	vld [tilespmem:s7+$0xFFFFFFE0];
	v8 =	vsel vm0, v3, v6;
	v5 =	vsel vm3, v4, v6;
	v2 =	vsel vm0, s5, v1  }
0x17: {  	v18 =	vld [tilespmem:s7+$0xFFFFFFF0];
	v0 =	vsel vm3, s5, v1;
	v4 =	vsel vm1, s5, v1;
	v15 =	vsel vm2, v6, v11  }
0x18: {  	v13 =	vld [tilespmem:s7+$0x0];
	v16 =	vsel vm1, v6, v10;
	v12 =	vsel vm0, v6, v8;
	v9 =	vsel vm3, v6, v5  }
0x19: {  	s4 =	sadd.s32 $0x1800, s2;
	s3 =	sadd.s32 $0x1A00, s2;
	s6 =	simm.s32 $0x1;
	v14 =	vld [tilespmem:s7+$0x10];
	v3 =	vsel vm0, v1, v2;
	v2 =	vsel vm3, v1, v0;
	v17 =	vsel vm2, v1, v7  }
0x1a: {  	s8 =	simm.s32 $0x2;
	s1 =	sadd.s32 $0x1C00, s2;
	s2 =	sadd.s32 $0x1E00, s2;
	v7 =	vsel vm1, v1, v4;
	v6 =	vimm.s32 $0x0;
	v4 =	vimm.s32 $0x0  }
.LBB2_2:
0x1b: {  	p0 =	sne.s32 s8, $0x3F;
	v1 =	vsel vm2, s5, v1;
	v6 =	vsel vm1, s5, v6;
	v4 =	vsel vm0, s5, v4;
	v20 =	vmovc v19;
	s5 =	smov.u32 s6;
	s6 =	smov.u32 s8  }
0x1c: {  	vm2 =	vgt.f32 v20, v11;
	vm0 =	vgt.f32 v20, v15;
	v21 =	vmov v18  }
0x1d: {  	v15 =	vsel vm0, v20, v15;
	v17 =	vsel vm0, s5, v17;
	vm1 =	vgt.f32 v21, v10  }
0x1e: {  	vm0 =	vgt.f32 v13, v8;
	v15 =	vsel vm2, v11, v15;
	vm3 =	vgt.f32 v14, v5  }
0x1f: {  	vm4 =	vgt.f32 v21, v16;
	vm5 =	vgt.f32 v13, v12;
	vm6 =	vgt.f32 v14, v9  }
0x20: {  	s7 =	sadd.s32 $0x80, s7;
	v16 =	vsel vm4, v21, v16;
	v12 =	vsel vm5, v13, v12;
	v9 =	vsel vm6, v14, v9  }
.Ltmp0:
0x21: {  	v16 =	vsel vm1, v10, v16;
	v12 =	vsel vm0, v8, v12;
	v9 =	vsel vm3, v5, v9;
	v19 =	vld [tilespmem:s7+$0xFFFFFFE0];
	(pc) =	sbr.rel @p0 .LBB2_2-.Ltmp0, $4  }
0x22: {  	v3 =	vsel vm5, s5, v3;
	v2 =	vsel vm6, s5, v2;
	v5 =	vsel vm3, v14, v5;
	v18 =	vld [tilespmem:s7+$0xFFFFFFF0]  }
0x23: {  	v3 =	vsel vm0, v4, v3;
	v8 =	vsel vm0, v13, v8;
	v2 =	vsel vm3, v0, v2;
	v13 =	vld [tilespmem:s7+$0x0]  }
0x24: {  	v17 =	vsel vm2, v1, v17;
	v7 =	vsel vm4, s5, v7;
	v10 =	vsel vm1, v21, v10;
	v14 =	vld [tilespmem:s7+$0x10]  }
0x25: {  	s8 =	sadd.s32 $0x1, s8;
	v11 =	vsel vm2, v20, v11;
	v7 =	vsel vm1, v6, v7;
	v0 =	vsel vm3, s5, v0  }
0x26: {  	vm8 =	vgt.f32 v19, v15  }
0x27: {  	vm6 =	vgt.f32 v19, v11;
	v15 =	vsel vm8, v19, v15  }
0x28: {  	v60 =	vsel vm6, v19, v11;
	v15 =	vsel vm6, v11, v15  }
0x29: {  	v11 =	vsub.f32 v15, v60;
	_ =	sdelay $0x1  }
0x2a: {  	v11 =	vmul.f32 $1.442695020e+00, v11;
	_ =	sdelay $0x1  }
0x2b: {  	(erf) = vpow2.f32 v11;
	_ =	sdelay $0x5  }
0x2c: {  	vm5 =	vgt.f32 v18, v16  }
0x2d: {  	vm3 =	vgt.f32 v18, v10;
	v61 =	vsel vm5, v18, v16  }
0x2e: {  	v62 =	vsel vm3, v18, v10;
	v11 =	vsel vm3, v10, v61  }
0x2f: {  	v10 =	vsub.f32 v11, v62;
	v63 =	vpop (erf)  }
0x30: {  	v18 =	vadd.f32 $1.000000000e+00, v63  }
0x31: {  	v10 =	vmul.f32 $1.442695020e+00, v10  }
0x32: {  	(erf) = vrcp.f32 v18  }
0x33: {  	(erf) = vpow2.f32 v10;
	_ =	sdelay $0x5  }
0x34: {  	vm7 =	vgt.f32 v13, v12  }
0x35: {  	vm4 =	vgt.f32 v13, v8;
	v19 =	vsel vm7, v13, v12  }
0x36: {  	v20 =	vsel vm4, v13, v8;
	v10 =	vsel vm4, v8, v19;
	v11 =	vpop (erf)  }
0x37: {  	v8 =	vsub.f32 v10, v20;
	v21 =	vpop (erf)  }
0x38: {  	v22 =	vadd.f32 $1.000000000e+00, v21  }
0x39: {  	v8 =	vmul.f32 $1.442695020e+00, v8  }
0x3a: {  	(erf) = vrcp.f32 v22  }
0x3b: {  	(erf) = vpow2.f32 v8;
	_ =	sdelay $0x5  }
0x3c: {  	vm10 =	vgt.f32 v14, v9  }
0x3d: {  	vm9 =	vgt.f32 v14, v5;
	v23 =	vsel vm10, v14, v9  }
0x3e: {  	v24 =	vsel vm9, v14, v5;
	v8 =	vsel vm9, v5, v23;
	v25 =	vpop (erf)  }
0x3f: {  	v5 =	vsub.f32 v8, v24;
	v26 =	vpop (erf)  }
0x40: {  	v27 =	vadd.f32 $1.000000000e+00, v26  }
0x41: {  	v5 =	vmul.f32 $1.442695020e+00, v5  }
0x42: {  	(erf) = vrcp.f32 v27  }
0x43: {  	(erf) = vpow2.f32 v5;
	_ =	sdelay $0x3  }
0x44: {  	v41 =	vimm.f32 $0.0e+00  }
0x45: {  	[tilespmem:$0x2000] =	vst v41  }
0x46: {  	[tilespmem:$0x2010] =	vst v41  }
0x47: {  	v1 =	vsel vm2, s5, v1;
	[tilespmem:$0x2020] =	vst v41  }
0x48: {  	v28 =	vsel vm8, s6, v17;
	v29 =	vsel vm6, s6, v1;
	[tilespmem:$0x2030] =	vst v41;
	v8 =	vpop (erf)  }
0x49: {  	v6 =	vsel vm1, s5, v6;
	v1 =	vsel vm6, v1, v28;
	[tilespmem:$0x2080] =	vst v29;
	v30 =	vpop (erf)  }
0x4a: {  	v7 =	vsel vm5, s6, v7;
	v32 =	vsel vm3, s6, v6;
	[tilespmem:$0x2100] =	vst v1;
	v5 =	vadd.f32 $1.000000000e+00, v30  }
0x4b: {  	v4 =	vsel vm0, s5, v4;
	v33 =	vsel vm3, v6, v7;
	[tilespmem:$0x2090] =	vst v32  }
0x4c: {  	v3 =	vsel vm7, s6, v3;
	v35 =	vsel vm4, s6, v4;
	[tilespmem:$0x2110] =	vst v33;
	(erf) = vrcp.f32 v5  }
0x4d: {  	v3 =	vsel vm4, v4, v3;
	[tilespmem:$0x20A0] =	vst v35  }
0x4e: {  	v2 =	vsel vm10, s6, v2;
	v37 =	vsel vm9, s6, v0;
	[tilespmem:$0x2120] =	vst v3  }
0x4f: {  	v38 =	vsel vm9, v0, v2;
	[tilespmem:$0x20B0] =	vst v37  }
0x50: {  	[tilespmem:$0x2130] =	vst v38;
	v31 =	vsub.f32 $1.000000000e+00, v11  }
0x51: {  	[tilespmem:$0x2180] =	vst v11  }
0x52: {  	[tilespmem:$0x2200] =	vst v31;
	v34 =	vsub.f32 $1.000000000e+00, v25  }
0x53: {  	[tilespmem:$0x2190] =	vst v25  }
0x54: {  	[tilespmem:$0x2210] =	vst v34;
	v36 =	vsub.f32 $1.000000000e+00, v8  }
0x55: {  	[tilespmem:$0x21A0] =	vst v8;
	v39 =	vpop (erf)  }
0x56: {  	[tilespmem:$0x2220] =	vst v36;
	v40 =	vsub.f32 $1.000000000e+00, v39  }
0x57: {  	[tilespmem:$0x21B0] =	vst v39  }
0x58: {  	v42 =	vimm.f32 $1.000000000e+00;
	s20 =	simm.s32 $0x2000;
	[tilespmem:$0x2230] =	vst v40  }
0x59: {  	[tilespmem:v29+s20+$0x0] =	vst.idx.msk $0xffff, v42  }
0x5a: {  	[tilespmem:v1+s20+$0x0] =	vst.idx.msk $0xffff, v42  }
0x5b: {  	[tilespmem:v32+s20+$0x0] =	vst.idx.msk $0xffff, v42  }
0x5c: {  	[tilespmem:v33+s20+$0x0] =	vst.idx.msk $0xffff, v42  }
0x5d: {  	[tilespmem:v35+s20+$0x0] =	vst.idx.msk $0xffff, v42  }
0x5e: {  	[tilespmem:v3+s20+$0x0] =	vst.idx.msk $0xffff, v42  }
0x5f: {  	[tilespmem:v37+s20+$0x0] =	vst.idx.msk $0xffff, v42  }
0x60: {  	[tilespmem:v38+s20+$0x0] =	vst.idx.msk $0xffff, v42  }
0x61: {  	v0 =	vld [tilespmem:$0x2000];
	_ =	sdelay $0x1  }
0x62: {  	v1 =	vld [tilespmem:$0x2010];
	_ =	sdelay $0x1  }
0x63: {  	v43 =	vld [tilespmem:$0x2020]  }
0x64: {  	(xrf2) =	vadd.scan.msk.f32 $0xffff, v0  }
0x65: {  	v4 =	vld [tilespmem:$0x2030]  }
0x66: {  	v44 =	vlaneseq.u32;
	(xrf2) =	vadd.scan.msk.f32 $0xffff, v1  }
0x67: {  	v45 =	vor.u32 $0x80000000, v44;
	vm12 =	vgt.f32 v0, $5.000000000e-01  }
0x68: {  	v0 =	vnsel vm12, $0x7FFFFFFF, v45;
	(xrf2) =	vadd.scan.msk.f32 $0xffff, v43  }
0x69: {  	v46 =	vor.u32 $0x80000010, v44;
	vm13 =	vgt.f32 v1, $5.000000000e-01;
	(xrf0) =	vmax.scan.msk.u32 $0xffff, v0  }
0x6a: {  	v47 =	vnsel vm13, $0x7FFFFFFF, v46;
	(xrf2) =	vadd.scan.msk.f32 $0xffff, v4  }
0x6b: {  	v48 =	vor.u32 $0x80000020, v44;
	vm14 =	vgt.f32 v43, $5.000000000e-01;
	(xrf0) =	vmax.scan.msk.u32 $0xffff, v47  }
0x6c: {  	v0 =	vnsel vm14, $0x7FFFFFFF, v48  }
0x6d: {  	v51 =	vor.u32 $0x80000030, v44;
	vm15 =	vgt.f32 v4, $5.000000000e-01;
	(xrf0) =	vmax.scan.msk.u32 $0xffff, v0  }
0x6e: {  	v53 =	vnsel vm15, $0x7FFFFFFF, v51;
	v49, _, _ =	vpop (xrf2)  }
0x6f: {  	v50, _, _ =	vpop (xrf0);
	(xrf0) =	vmax.scan.msk.u32 $0xffff, v53;
	(v2sf) =	vpush v49, $0xF  }
0x70: {  	v52, _, _ =	vpop (xrf2);
	(v2sf) =	vpush v50, $0xF  }
0x71: {  	v54, _, _ =	vpop (xrf0);
	(v2sf) =	vpush v52, $0xF  }
0x72: {  	v55, _, _ =	vpop (xrf2);
	(v2sf) =	vpush v54, $0xF  }
0x73: {  	v56, _, _ =	vpop (xrf0);
	(v2sf) =	vpush v55, $0xF  }
0x74: {  	v57, _, _ =	vpop (xrf2);
	(v2sf) =	vpush v56, $0xF  }
0x75: {  	v58, _, _ =	vpop (xrf0);
	(v2sf) =	vpush v57, $0xF  }
0x76: {  	(v2sf) =	vpush v58, $0xF;
	_ =	sdelay $0x7  }
0x77: {  	s21 =	spop (v2sf)  }
0x78: {  	s22 =	spop (v2sf)  }
0x79: {  	s7 =	spop (v2sf)  }
0x7a: {  	s5 =	sadd.f32 $0.0e+00, s21;
	s8 =	spop (v2sf)  }
0x7b: {  	s6 =	sxor.u32 $0x80000000, s22;
	s9 =	spop (v2sf);
	s8 =	sxor.u32 $0x80000000, s8  }
0x7c: {  	s7 =	sadd.f32 s7, s5;
	s10 =	spop (v2sf);
	p0 =	sgt.s32 s6, s8  }
0x7d: {  	s11 =	spop (v2sf);
	s8 =	smov.u32 @p0 s6;
	s6 =	sxor.u32 $0x80000000, s10  }
0x7e: {  	v0 =	vadd.f32 $0.0e+00, v49;
	p0 =	sgt.s32 s8, s6;
	s23 =	spop (v2sf)  }
0x7f: {  	v4 =	vadd.f32 s5, v52;
	s24 =	sadd.f32 s9, s7;
	s6 =	smov.u32 @p0 s8;
	s8 =	sxor.u32 $0x80000000, s23  }
0x80: {  	v0 =	vadd.f32 $-1.000000000e+00, v0;
	v1 =	vadd.f32 s7, v55;
	p0 =	sgt.s32 s6, s8  }
0x81: {  	v4 =	vadd.f32 $-1.000000000e+00, v4;
	v2 =	vadd.f32 s24, v57;
	s8 =	smov.u32 @p0 s6  }
0x82: {  	v0 =	vtrunc.f32 v0;
	v1 =	vadd.f32 $-1.000000000e+00, v1;
	p0 =	sgt.s32 s8, $0x0  }
0x83: {  	v0 =	vcvt.f32.s32 v0;
	v4 =	vtrunc.f32 v4;
	v2 =	vadd.f32 $-1.000000000e+00, v2;
	s8 =	simm.s32 @!p0 $0x0  }
0x84: {  	v4 =	vcvt.f32.s32 v4;
	v1 =	vtrunc.f32 v1;
	v59 =	vmov s8  }
0x85: {  	v1 =	vcvt.f32.s32 v1;
	v2 =	vtrunc.f32 v2;
	[tilespmem:$0x2280] =	vst v59  }
0x86: {  	v2 =	vcvt.f32.s32 v2;
	[tilespmem:$0x2290] =	vst v59  }
0x87: {  	[tilespmem:$0x22A0] =	vst v59  }
0x88: {  	s25 =	simm.s32 $0x2280;
	s5 =	sadd.f32 s11, s24;
	[tilespmem:$0x22B0] =	vst v59  }
0x89: {  	v60 =	vor.u32 $0x10, v44;
	[tilespmem:v0+s25+$0x0] =	vst.idx.msk vm12, v44  }
0x8a: {  	v61 =	vor.u32 $0x20, v44;
	s5 =	scvt.f32.s32 s5;
	[tilespmem:v4+s25+$0x0] =	vst.idx.msk vm13, v60  }
0x8b: {  	v62 =	vor.u32 $0x30, v44;
	[tilespmem:v1+s25+$0x0] =	vst.idx.msk vm14, v61  }
0x8c: {  	v63 =	vmov s5;
	[tilespmem:v2+s25+$0x0] =	vst.idx.msk vm15, v62  }
0x8d: {  	s26 =	simm.s32 $0x0;
	s28 =	simm.s32 $0x2080;
	s29 =	simm.s32 $0x1;
	[tilespmem:$0x2300] =	vst v63  }
0x8e: {  	[hbm4b:s4+s26] =	stream.linear.scatter [tilespmem:s28], [sflag:$0x1], $0x100, $0x38;
	[tilespmem:$0x2380] =	vst v63  }
0x8f: {  	_ =	swait.ge [sflag:s29], $0x100  }
0x90: {  	[sflag:s29] =	ssyncset.done $0x0  }
0x91: {  	s30 =	simm.s32 $0x2180;
	[sflag:s29] =	ssyncadd.s32 $0xFFFFFF00  }
0x92: {  	[hbm4b:s3+s26] =	stream.linear.scatter [tilespmem:s30], [sflag:$0x1], $0x100, $0x38;
	[tilespmem:$0x2380] =	vst v63  }
0x93: {  	_ =	swait.ge [sflag:s29], $0x100  }
0x94: {  	[sflag:s29] =	ssyncset.done $0x0  }
0x95: {  	[sflag:s29] =	ssyncadd.s32 $0xFFFFFF00  }
0x96: {  	[hbm4b:s1+s26] =	stream.linear.scatter [tilespmem:s25], [sflag:$0x1], $0x80, $0x38;
	[tilespmem:$0x2380] =	vst v63  }
0x97: {  	_ =	swait.ge [sflag:s29], $0x80  }
0x98: {  	[sflag:s29] =	ssyncset.done $0x0  }
0x99: {  	s31 =	simm.s32 $0x2300;
	[sflag:s29] =	ssyncadd.s32 $0xFFFFFF80  }
0x9a: {  	[hbm4b:s2+s26] =	stream.linear.scatter [tilespmem:s31], [sflag:$0x1], $0x80, $0x38;
	[tilespmem:$0x2380] =	vst v63  }
0x9b: {  	_ =	swait.ge [sflag:s29], $0x80  }
0x9c: {  	[sflag:s29] =	ssyncset.done $0x0  }
0x9d: {  	[sflag:s29] =	ssyncadd.s32 $0xFFFFFF80  }
0x9e: {  	_ =	sfence.sel $0x180000  }
0x9f: {  	[bflag:$0x0] =	sbarrier.arrive $0xFFFF  }
0xa0: {  	_ =	strace $0x90000047  }
0xa1: {  	s0 =	sadd.s32 $0x100000, s0;
	[bflag:$0x2] =	sbarrier.arrive $0xFFFF  }
0xa2: {  	[sflag:s0] =	ssyncadd.tile.s32 $0x1;
	_ =	shalt  }
.Lfunc_end2:
_tile_overlayer_lowered:
.L_overlay_start_2:
0xa3: {  	(tag) =	ssettag $0x2  }
0xa4: {  	s0 =	rddreg [dreg:$0x0];
	s2 =	stileid.u32  }
0xa5: {  	s1 =	rddreg [dreg:$0x1];
	p0 =	sne.s32 s2, $0x0  }
0xa6: {  	s3 =	rddreg [dreg:$0x2];
	[bflag:$0x3] =	sbarrier.arrive $0xFFFF;
	s2 =	simm.s32 @!p0 $0x1C01  }
0xa7: {  	[timem:s3], [sflag:s2] =	dma.local @!p0 [hbm:s0], s1  }
0xa8: {  	s0 =	simm.s32 @!p0 $0x1  }
0xa9: {  	_ =	swait.ge @!p0 [sflag:s0], s1  }
0xaa: {  	s1 =	ssub.s32 @!p0 $0x0, s1;
	[sflag:s0] =	ssyncset.done @!p0 $0x0  }
0xab: {  	[sflag:s0] =	ssyncadd.s32 @!p0 s1  }
0xac: {  	[bflag:$0x3] =	sbarrier.arrive $0xFFFF  }
0xad: {  	_ =	shalt  }

</sc_bundles>
